<compile_context>
chip_gen: v7x
topology: tpu7x:2x2x1
jax: 0.10.2.dev20260603
libtpu: 0.0.44.dev20260713+nightly
codegen_flags: <defaults>
</compile_context>

<pallas_src>
import functools

import jax
import jax.numpy as jnp
from jax import lax
from jax.experimental import pallas as pl
from jax.experimental.pallas import tpu as pltpu
from jax.experimental.pallas import tpu_sc as plsc

N = 10000
E = 320000
D = 128
G = 64

NPAD = 10240
NW = 32
EW = E // NW
K = 128
CH = NPAD // K
RBLK = 8
NB = CH // RBLK
DRING = 3
EWP = CH * K
AGG_ROWS = 10112
ROWS_PER_TILE = AGG_ROWS // 16

BLK = 512
NBLK = NPAD // BLK


NBUF = 2
LOOKAHEAD = 1


def _make_sc_agg():
    mesh = plsc.VectorSubcoreMesh(core_axis_name="c", subcore_axis_name="s")

    @functools.partial(
        pl.kernel,
        mesh=mesh,
        out_type=jax.ShapeDtypeStruct((2, NPAD, D), jnp.float32),
        scratch_types=[
            pltpu.VMEM((CH, K), jnp.int32),
            pltpu.VMEM((DRING, RBLK, K), jnp.int32),
            pltpu.VMEM((NBUF, K, D), jnp.float32),
            pltpu.VMEM_SHARED((AGG_ROWS, D), jnp.float32),
            pltpu.SemaphoreType.DMA((NBUF,)),
            pltpu.SemaphoreType.DMA((NBUF,)),
            pltpu.SemaphoreType.DMA((DRING,)),
        ],
    )
    def sc_agg(h_hbm, src_hbm, dst_hbm, zeros_hbm, out_hbm,
               src_v, dring_v, rows_v, agg_sh, gsem, ssem, dsem):
        cid = lax.axis_index("c")
        sid = lax.axis_index("s")
        wid = sid * 2 + cid

        pltpu.sync_copy(zeros_hbm, agg_sh.at[pl.ds(sid * ROWS_PER_TILE,
                                                   ROWS_PER_TILE)])
        pltpu.sync_copy(src_hbm.at[wid], src_v)

        def dload(blk):
            r = lax.rem(blk, DRING)
            pltpu.async_copy(dst_hbm.at[wid, pl.ds(blk * RBLK, RBLK)],
                             dring_v.at[r], dsem.at[r])

        def dload_wait(blk):
            r = lax.rem(blk, DRING)
            pltpu.make_async_copy(dst_hbm.at[wid, pl.ds(blk * RBLK, RBLK)],
                                  dring_v.at[r], dsem.at[r]).wait()

        dload(0)
        dload(1)
        plsc.subcore_barrier()

        def gather(j, b):
            pltpu.async_copy(h_hbm.at[src_v.at[j]], rows_v.at[b], gsem.at[b])

        for j0 in range(LOOKAHEAD):
            gather(j0, j0)

        def chunk(j, carry):
            b = lax.rem(j, NBUF)
            blk = j // RBLK
            jj = lax.rem(j, RBLK)
            r = lax.rem(blk, DRING)

            @pl.when(jj == 0)
            def _dwait():
                dload_wait(blk)

            pltpu.make_async_copy(h_hbm.at[src_v.at[j]], rows_v.at[b],
                                  gsem.at[b]).wait()
            pltpu.async_copy(rows_v.at[b], agg_sh.at[dring_v.at[r, jj]],
                             ssem.at[b], add=True)

            @pl.when(j >= LOOKAHEAD)
            def _retire():
                jp = j - LOOKAHEAD
                b2 = lax.rem(jp, NBUF)
                pltpu.make_async_copy(
                    rows_v.at[b2],
                    agg_sh.at[dring_v.at[lax.rem(jp // RBLK, DRING),
                                         lax.rem(jp, RBLK)]],
                    ssem.at[b2]).wait()

            @pl.when(jnp.logical_and(jj == 0, blk + 2 < NB))
            def _dprefetch():
                dload(blk + 2)

            @pl.when(j + LOOKAHEAD < CH)
            def _prefetch():
                gather(j + LOOKAHEAD, lax.rem(j + LOOKAHEAD, NBUF))

            return carry

        lax.fori_loop(0, CH, chunk, 0)

        for jt in range(CH - LOOKAHEAD, CH):
            bt = jt % NBUF
            blkt = jt // RBLK
            pltpu.make_async_copy(
                rows_v.at[bt],
                agg_sh.at[dring_v.at[blkt % DRING, jt % RBLK]],
                ssem.at[bt]).wait()

        plsc.subcore_barrier()

        pltpu.sync_copy(
            agg_sh.at[pl.ds(sid * ROWS_PER_TILE, ROWS_PER_TILE)],
            out_hbm.at[cid, pl.ds(sid * ROWS_PER_TILE, ROWS_PER_TILE)])

    return sc_agg


_SC_AGG_CACHE = []


def _sc_agg(h, src_p, dst_p, zeros):
    if not _SC_AGG_CACHE:
        _SC_AGG_CACHE.append(_make_sc_agg())
    return _SC_AGG_CACHE[0](h, src_p, dst_p, zeros)


def _row_mask(i):
    rid = lax.broadcasted_iota(jnp.int32, (BLK, 1), 0) + i * BLK
    return (rid < N).astype(jnp.float32)


def _mlp_body(h_ref, agg_ref, w1_ref, b1_ref, w2_ref, b2_ref, out_ref):
    hin = (h_ref[...] + agg_ref[0] + agg_ref[1]) * _row_mask(pl.program_id(0))
    h1 = lax.dot_general(hin, w1_ref[...], (((1,), (1,)), ((), ())),
                         precision=lax.Precision.HIGHEST,
                         preferred_element_type=jnp.float32) + b1_ref[...]
    h1 = jnp.maximum(h1, 0.0)
    out_ref[...] = lax.dot_general(h1, w2_ref[...], (((1,), (1,)), ((), ())),
                                   precision=lax.Precision.HIGHEST,
                                   preferred_element_type=jnp.float32) + b2_ref[...]


def _mlp(h, agg2, w1, b1, w2, b2):
    return pl.pallas_call(
        _mlp_body,
        grid=(NBLK,),
        in_specs=[
            pl.BlockSpec((BLK, D), lambda i: (i, 0)),
            pl.BlockSpec((2, BLK, D), lambda i: (0, i, 0)),
            pl.BlockSpec((D, D), lambda i: (0, 0)),
            pl.BlockSpec((1, D), lambda i: (0, 0)),
            pl.BlockSpec((D, D), lambda i: (0, 0)),
            pl.BlockSpec((1, D), lambda i: (0, 0)),
        ],
        out_specs=pl.BlockSpec((BLK, D), lambda i: (i, 0)),
        out_shape=jax.ShapeDtypeStruct((NPAD, D), jnp.float32),
    )(h, agg2, w1, b1, w2, b2)


def _mlp_pool_body(h_ref, agg_ref, w1_ref, b1_ref, w2_ref, b2_ref, batch_ref,
                   out_ref, sums_ref, cnts_ref):
    i = pl.program_id(0)

    @pl.when(i == 0)
    def _init():
        sums_ref[...] = jnp.zeros_like(sums_ref)
        cnts_ref[...] = jnp.zeros_like(cnts_ref)

    hin = (h_ref[...] + agg_ref[0] + agg_ref[1]) * _row_mask(i)
    h1 = lax.dot_general(hin, w1_ref[...], (((1,), (1,)), ((), ())),
                         precision=lax.Precision.HIGHEST,
                         preferred_element_type=jnp.float32) + b1_ref[...]
    h1 = jnp.maximum(h1, 0.0)
    h3 = lax.dot_general(h1, w2_ref[...], (((1,), (1,)), ((), ())),
                         precision=lax.Precision.HIGHEST,
                         preferred_element_type=jnp.float32) + b2_ref[...]

    b = batch_ref[0, 0, :]
    onehot = (b[:, None] == lax.broadcasted_iota(jnp.int32, (BLK, G), 1)
              ).astype(jnp.float32)
    sums_ref[...] += lax.dot_general(onehot, h3, (((0,), (0,)), ((), ())),
                                     precision=lax.Precision.HIGHEST,
                                     preferred_element_type=jnp.float32)
    cnts_ref[...] += lax.dot_general(onehot, jnp.ones((BLK, D), jnp.float32),
                                     (((0,), (0,)), ((), ())),
                                     precision=lax.Precision.HIGHEST,
                                     preferred_element_type=jnp.float32)

    @pl.when(i == pl.num_programs(0) - 1)
    def _fin():
        out_ref[...] = sums_ref[...] / jnp.maximum(cnts_ref[...], 1.0)


def _mlp_pool(h, agg2, w1, b1, w2, b2, batch3d):
    return pl.pallas_call(
        _mlp_pool_body,
        grid=(NBLK,),
        in_specs=[
            pl.BlockSpec((BLK, D), lambda i: (i, 0)),
            pl.BlockSpec((2, BLK, D), lambda i: (0, i, 0)),
            pl.BlockSpec((D, D), lambda i: (0, 0)),
            pl.BlockSpec((1, D), lambda i: (0, 0)),
            pl.BlockSpec((D, D), lambda i: (0, 0)),
            pl.BlockSpec((1, D), lambda i: (0, 0)),
            pl.BlockSpec((1, 1, BLK), lambda i: (i, 0, 0)),
        ],
        out_specs=pl.BlockSpec((G, D), lambda i: (0, 0)),
        out_shape=jax.ShapeDtypeStruct((G, D), jnp.float32),
        scratch_shapes=[
            pltpu.VMEM((G, D), jnp.float32),
            pltpu.VMEM((G, D), jnp.float32),
        ],
    )(h, agg2, w1, b1, w2, b2, batch3d)


def kernel(x, edge_index, batch,
           W1_0, b1_0, W2_0, b2_0,
           W1_1, b1_1, W2_1, b2_1,
           W1_2, b1_2, W2_2, b2_2):
    src = edge_index[0].reshape(NW, EW)
    dst = edge_index[1].reshape(NW, EW)
    pad = EWP - EW
    src_p = jnp.pad(src, ((0, 0), (0, pad))).reshape(NW, CH, K)
    dst_p = jnp.pad(dst, ((0, 0), (0, pad)), constant_values=N).reshape(
        NW, CH, K)
    x_p = jnp.pad(x, ((0, NPAD - N), (0, 0)))
    batch3d = jnp.pad(batch, (0, NPAD - N), constant_values=G).reshape(
        NBLK, 1, BLK)
    zeros = jnp.zeros((ROWS_PER_TILE, D), jnp.float32)

    params = [(W1_0, b1_0, W2_0, b2_0),
              (W1_1, b1_1, W2_1, b2_1),
              (W1_2, b1_2, W2_2, b2_2)]

    h = x_p
    for li, (w1, b1, w2, b2) in enumerate(params):
        agg2 = _sc_agg(h, src_p, dst_p, zeros)
        b1r = b1.reshape(1, D)
        b2r = b2.reshape(1, D)
        if li < 2:
            h = _mlp(h, agg2, w1, b1r, w2, b2r)
        else:
            out = _mlp_pool(h, agg2, w1, b1r, w2, b2r, batch3d)
    return out

# --- scband reference (transcript-rebuilt; emitter-appended) ---
"""Pipeline reference for scband-graph-encoder-70454643523878 (READ-ONLY COPY).

The authoritative reference and input builder live on the scoring server;
editing this copy changes nothing except your own understanding.
"""

import jax, jax.numpy as jnp
import numpy as np

N = 10000
E = 320000
D = 128
H = 128
G = 64
NUM_LAYERS = 3


def setup_inputs(seed: int = 0) -> dict:
    key = jax.random.key(seed)
    ks = jax.random.split(key, 3 + 4 * NUM_LAYERS)
    inp = {}
    inp["x"] = jax.random.normal(ks[0], (N, D), dtype=jnp.float32)
    inp["edge_index"] = jax.random.randint(ks[1], (2, E), 0, N, dtype=jnp.int32)
    inp["batch"] = jnp.sort(jax.random.randint(ks[2], (N,), 0, G, dtype=jnp.int32))
    for i in range(NUM_LAYERS):
        in_dim = D if i == 0 else H
        inp[f"W1_{i}"] = jax.random.normal(ks[3 + 4 * i], (H, in_dim), dtype=jnp.float32) * 0.05
        inp[f"b1_{i}"] = jnp.zeros((H,), dtype=jnp.float32)
        inp[f"W2_{i}"] = jax.random.normal(ks[4 + 4 * i], (H, H), dtype=jnp.float32) * 0.05
        inp[f"b2_{i}"] = jnp.zeros((H,), dtype=jnp.float32)
    return inp


def _gin_conv(x, src, dst, W1, b1, W2, b2):
    # GINConv (eps=0): mlp((1+eps)*x + sum_{j in N(i)} x_j)
    agg = jnp.zeros((x.shape[0], x.shape[1]), dtype=x.dtype).at[dst].add(x[src])
    h = x + agg
    h = h @ W1.T + b1
    h = jax.nn.relu(h)
    h = h @ W2.T + b2
    return h


def reference(x, edge_index, batch, W1_0, b1_0, W2_0, b2_0, W1_1, b1_1, W2_1, b2_1, W1_2, b1_2, W2_2, b2_2):
    src = edge_index[0]
    dst = edge_index[1]
    params = [(W1_0, b1_0, W2_0, b2_0), (W1_1, b1_1, W2_1, b2_1), (W1_2, b1_2, W2_2, b2_2)]
    h = x
    for (W1, b1, W2, b2) in params:
        h = _gin_conv(h, src, dst, W1, b1, W2, b2)
        # dropout is identity in eval mode
    # global_mean_pool over batch segment ids
    sums = jax.ops.segment_sum(h, batch, num_segments=G)
    counts = jax.ops.segment_sum(jnp.ones((h.shape[0],), dtype=h.dtype), batch, num_segments=G)
    return sums / jnp.clip(counts, 1.0)[:, None]

if __name__ == "__main__":
    import jax
    _d = setup_inputs()
    print(jax.jit(kernel)(*tuple(_d.values())))

</pallas_src>

<mosaic_0001>
#map = affine_map<(d0, d1) -> (0, 0)>
#map1 = affine_map<(d0, d1) -> (0, 0, 0)>
module attributes {stable_mosaic.version = 14 : i64} {
  func.func @sc_agg(%arg0: i32, %arg1: i32, %arg2: memref<10240x128xf32, #tpu.memory_space<hbm>>, %arg3: memref<32x80x128xi32, #tpu.memory_space<hbm>>, %arg4: memref<32x80x128xi32, #tpu.memory_space<hbm>>, %arg5: memref<632x128xf32, #tpu.memory_space<hbm>>, %arg6: memref<2x10240x128xf32, #tpu.memory_space<hbm>>, %arg7: memref<80x128xi32, #tpu.memory_space<vmem>>, %arg8: memref<3x8x128xi32, #tpu.memory_space<vmem>>, %arg9: memref<2x128x128xf32, #tpu.memory_space<vmem>>, %arg10: memref<10112x128xf32, #tpu.memory_space<vmem_shared>>, %arg11: memref<2x!tpu.dma_semaphore, #tpu.memory_space<semaphore_mem>>, %arg12: memref<2x!tpu.dma_semaphore, #tpu.memory_space<semaphore_mem>>, %arg13: memref<3x!tpu.dma_semaphore, #tpu.memory_space<semaphore_mem>>) attributes {dimension_semantics = [#tpu.dimension_semantics<core_parallel>, #tpu.dimension_semantics<subcore_parallel>], iteration_bounds = array<i64: 2, 16>, scalar_prefetch = 0 : i64, scratch_operands = 7 : i64, tpu.core_type = #tpu.core_type<sc_vector_subcore>, window_params = [{transform_indices = #map}, {transform_indices = #map1}, {transform_indices = #map1}, {transform_indices = #map}, {transform_indices = #map1}]} {
    %mul3A = arith.constant 2 : i32
    %mul3A_0 = arith.muli %arg1, %mul3A : i32
    %add3A = arith.addi %mul3A_0, %arg0 : i32
    %mul3A_1 = arith.constant 632 : i32
    %mul3A_2 = arith.muli %arg1, %mul3A_1 : i32
    "tpu.region"() ({
      %run_scoped3A = tpu.sem_alloc : memref<!tpu.dma_semaphore, #tpu.memory_space<semaphore_mem>>
      %dma_start3A_83 = arith.constant 0 : i32
      %dma_start3A_84 = tpu.memref_slice %arg10[%mul3A_2, %dma_start3A_83] : memref<10112x128xf32, #tpu.memory_space<vmem_shared>> -> memref<632x128xf32, #tpu.memory_space<vmem_shared>>
      tpu.enqueue_dma source(%arg5 : memref<632x128xf32, #tpu.memory_space<hbm>>) target(%dma_start3A_84 : memref<632x128xf32, #tpu.memory_space<vmem_shared>>) target_semaphore(%run_scoped3A : memref<!tpu.dma_semaphore, #tpu.memory_space<semaphore_mem>>)
      %dma_wait3A_85 = arith.constant 0 : i32
      %dma_wait3A_86 = tpu.memref_slice %arg10[%mul3A_2, %dma_wait3A_85] : memref<10112x128xf32, #tpu.memory_space<vmem_shared>> -> memref<632x128xf32, #tpu.memory_space<vmem_shared>>
      tpu.wait_dma2 semaphore(%run_scoped3A : memref<!tpu.dma_semaphore, #tpu.memory_space<semaphore_mem>>) src(%arg5 : memref<632x128xf32, #tpu.memory_space<hbm>>) dst(%dma_wait3A_86 : memref<632x128xf32, #tpu.memory_space<vmem_shared>>)
      tpu.yield
    }) : () -> ()
    "tpu.region"() ({
      %run_scoped3A = tpu.sem_alloc : memref<!tpu.dma_semaphore, #tpu.memory_space<semaphore_mem>>
      %dma_start3A_83 = arith.constant 0 : i32
      %dma_start3A_84 = arith.constant 0 : i32
      %dma_start3A_85 = tpu.memref_slice %arg3[%add3A, %dma_start3A_83, %dma_start3A_84] : memref<32x80x128xi32, #tpu.memory_space<hbm>> -> memref<1x80x128xi32, #tpu.memory_space<hbm>>
      %dma_start3A_86 = tpu.memref_squeeze %dma_start3A_85 : memref<1x80x128xi32, #tpu.memory_space<hbm>> -> memref<80x128xi32, #tpu.memory_space<hbm>>
      %dma_start3A_87 = arith.constant 0 : i32
      %dma_start3A_88 = arith.constant 0 : i32
      %dma_start3A_89 = tpu.memref_slice %arg3[%add3A, %dma_start3A_87, %dma_start3A_88] : memref<32x80x128xi32, #tpu.memory_space<hbm>> -> memref<1x80x128xi32, #tpu.memory_space<hbm>>
      %dma_start3A_90 = tpu.memref_squeeze %dma_start3A_89 : memref<1x80x128xi32, #tpu.memory_space<hbm>> -> memref<80x128xi32, #tpu.memory_space<hbm>>
      tpu.enqueue_dma source(%dma_start3A_90 : memref<80x128xi32, #tpu.memory_space<hbm>>) target(%arg7 : memref<80x128xi32, #tpu.memory_space<vmem>>) target_semaphore(%run_scoped3A : memref<!tpu.dma_semaphore, #tpu.memory_space<semaphore_mem>>)
      %dma_wait3A_91 = arith.constant 0 : i32
      %dma_wait3A_92 = arith.constant 0 : i32
      %dma_wait3A_93 = tpu.memref_slice %arg3[%add3A, %dma_wait3A_91, %dma_wait3A_92] : memref<32x80x128xi32, #tpu.memory_space<hbm>> -> memref<1x80x128xi32, #tpu.memory_space<hbm>>
      %dma_wait3A_94 = tpu.memref_squeeze %dma_wait3A_93 : memref<1x80x128xi32, #tpu.memory_space<hbm>> -> memref<80x128xi32, #tpu.memory_space<hbm>>
      %dma_wait3A_95 = arith.constant 0 : i32
      %dma_wait3A_96 = arith.constant 0 : i32
      %dma_wait3A_97 = tpu.memref_slice %arg3[%add3A, %dma_wait3A_95, %dma_wait3A_96] : memref<32x80x128xi32, #tpu.memory_space<hbm>> -> memref<1x80x128xi32, #tpu.memory_space<hbm>>
      %dma_wait3A_98 = tpu.memref_squeeze %dma_wait3A_97 : memref<1x80x128xi32, #tpu.memory_space<hbm>> -> memref<80x128xi32, #tpu.memory_space<hbm>>
      tpu.wait_dma2 semaphore(%run_scoped3A : memref<!tpu.dma_semaphore, #tpu.memory_space<semaphore_mem>>) src(%dma_wait3A_98 : memref<80x128xi32, #tpu.memory_space<hbm>>) dst(%arg7 : memref<80x128xi32, #tpu.memory_space<vmem>>)
      tpu.yield
    }) : () -> ()
    %rem3A = arith.constant 0 : i32
    %rem3A_3 = arith.constant 3 : i32
    %rem3A_4 = arith.remsi %rem3A, %rem3A_3 : i32
    %dma_start3A = arith.constant 0 : i32
    %dma_start3A_5 = arith.constant 0 : i32
    %dma_start3A_6 = tpu.memref_slice %arg8[%rem3A_4, %dma_start3A, %dma_start3A_5] : memref<3x8x128xi32, #tpu.memory_space<vmem>> -> memref<1x8x128xi32, #tpu.memory_space<vmem>>
    %dma_start3A_7 = tpu.memref_squeeze %dma_start3A_6 : memref<1x8x128xi32, #tpu.memory_space<vmem>> -> memref<8x128xi32, #tpu.memory_space<vmem>>
    %dma_start3A_8 = arith.constant 0 : i32
    %dma_start3A_9 = arith.constant 0 : i32
    %dma_start3A_10 = tpu.memref_slice %arg4[%add3A, %dma_start3A_8, %dma_start3A_9] : memref<32x80x128xi32, #tpu.memory_space<hbm>> -> memref<1x8x128xi32, #tpu.memory_space<hbm>>
    %dma_start3A_11 = tpu.memref_squeeze %dma_start3A_10 : memref<1x8x128xi32, #tpu.memory_space<hbm>> -> memref<8x128xi32, #tpu.memory_space<hbm>>
    %dma_start3A_12 = tpu.memref_slice %arg13[%rem3A_4] : memref<3x!tpu.dma_semaphore, #tpu.memory_space<semaphore_mem>> -> memref<1x!tpu.dma_semaphore, #tpu.memory_space<semaphore_mem>>
    %dma_start3A_13 = tpu.memref_squeeze %dma_start3A_12 : memref<1x!tpu.dma_semaphore, #tpu.memory_space<semaphore_mem>> -> memref<!tpu.dma_semaphore, #tpu.memory_space<semaphore_mem>>
    %dma_start3A_14 = arith.constant 0 : i32
    %dma_start3A_15 = arith.constant 0 : i32
    %dma_start3A_16 = tpu.memref_slice %arg8[%rem3A_4, %dma_start3A_14, %dma_start3A_15] : memref<3x8x128xi32, #tpu.memory_space<vmem>> -> memref<1x8x128xi32, #tpu.memory_space<vmem>>
    %dma_start3A_17 = tpu.memref_squeeze %dma_start3A_16 : memref<1x8x128xi32, #tpu.memory_space<vmem>> -> memref<8x128xi32, #tpu.memory_space<vmem>>
    %dma_start3A_18 = arith.constant 0 : i32
    %dma_start3A_19 = arith.constant 0 : i32
    %dma_start3A_20 = tpu.memref_slice %arg4[%add3A, %dma_start3A_18, %dma_start3A_19] : memref<32x80x128xi32, #tpu.memory_space<hbm>> -> memref<1x8x128xi32, #tpu.memory_space<hbm>>
    %dma_start3A_21 = tpu.memref_squeeze %dma_start3A_20 : memref<1x8x128xi32, #tpu.memory_space<hbm>> -> memref<8x128xi32, #tpu.memory_space<hbm>>
    tpu.enqueue_dma source(%dma_start3A_21 : memref<8x128xi32, #tpu.memory_space<hbm>>) target(%dma_start3A_17 : memref<8x128xi32, #tpu.memory_space<vmem>>) target_semaphore(%dma_start3A_13 : memref<!tpu.dma_semaphore, #tpu.memory_space<semaphore_mem>>)
    %rem3A_22 = arith.constant 1 : i32
    %rem3A_23 = arith.constant 3 : i32
    %rem3A_24 = arith.remsi %rem3A_22, %rem3A_23 : i32
    %dma_start3A_25 = arith.constant 0 : i32
    %dma_start3A_26 = arith.constant 0 : i32
    %dma_start3A_27 = tpu.memref_slice %arg8[%rem3A_24, %dma_start3A_25, %dma_start3A_26] : memref<3x8x128xi32, #tpu.memory_space<vmem>> -> memref<1x8x128xi32, #tpu.memory_space<vmem>>
    %dma_start3A_28 = tpu.memref_squeeze %dma_start3A_27 : memref<1x8x128xi32, #tpu.memory_space<vmem>> -> memref<8x128xi32, #tpu.memory_space<vmem>>
    %dma_start3A_29 = arith.constant 8 : i32
    %dma_start3A_30 = arith.constant 0 : i32
    %dma_start3A_31 = tpu.memref_slice %arg4[%add3A, %dma_start3A_29, %dma_start3A_30] : memref<32x80x128xi32, #tpu.memory_space<hbm>> -> memref<1x8x128xi32, #tpu.memory_space<hbm>>
    %dma_start3A_32 = tpu.memref_squeeze %dma_start3A_31 : memref<1x8x128xi32, #tpu.memory_space<hbm>> -> memref<8x128xi32, #tpu.memory_space<hbm>>
    %dma_start3A_33 = tpu.memref_slice %arg13[%rem3A_24] : memref<3x!tpu.dma_semaphore, #tpu.memory_space<semaphore_mem>> -> memref<1x!tpu.dma_semaphore, #tpu.memory_space<semaphore_mem>>
    %dma_start3A_34 = tpu.memref_squeeze %dma_start3A_33 : memref<1x!tpu.dma_semaphore, #tpu.memory_space<semaphore_mem>> -> memref<!tpu.dma_semaphore, #tpu.memory_space<semaphore_mem>>
    %dma_start3A_35 = arith.constant 0 : i32
    %dma_start3A_36 = arith.constant 0 : i32
    %dma_start3A_37 = tpu.memref_slice %arg8[%rem3A_24, %dma_start3A_35, %dma_start3A_36] : memref<3x8x128xi32, #tpu.memory_space<vmem>> -> memref<1x8x128xi32, #tpu.memory_space<vmem>>
    %dma_start3A_38 = tpu.memref_squeeze %dma_start3A_37 : memref<1x8x128xi32, #tpu.memory_space<vmem>> -> memref<8x128xi32, #tpu.memory_space<vmem>>
    %dma_start3A_39 = arith.constant 8 : i32
    %dma_start3A_40 = arith.constant 0 : i32
    %dma_start3A_41 = tpu.memref_slice %arg4[%add3A, %dma_start3A_39, %dma_start3A_40] : memref<32x80x128xi32, #tpu.memory_space<hbm>> -> memref<1x8x128xi32, #tpu.memory_space<hbm>>
    %dma_start3A_42 = tpu.memref_squeeze %dma_start3A_41 : memref<1x8x128xi32, #tpu.memory_space<hbm>> -> memref<8x128xi32, #tpu.memory_space<hbm>>
    tpu.enqueue_dma source(%dma_start3A_42 : memref<8x128xi32, #tpu.memory_space<hbm>>) target(%dma_start3A_38 : memref<8x128xi32, #tpu.memory_space<vmem>>) target_semaphore(%dma_start3A_34 : memref<!tpu.dma_semaphore, #tpu.memory_space<semaphore_mem>>)
    %barrier3A = arith.constant 0 : index
    tpu.barrier barrier_id(%barrier3A)
    %dma_start3A_43 = arith.constant 0 : i32
    %dma_start3A_44 = arith.constant 0 : i32
    %dma_start3A_45 = arith.constant 0 : i32
    %dma_start3A_46 = arith.constant 0 : i32
    %dma_start3A_47 = arith.constant 0 : i32
    %dma_start3A_48 = tpu.memref_slice %arg9[%dma_start3A_44, %dma_start3A_46, %dma_start3A_47] : memref<2x128x128xf32, #tpu.memory_space<vmem>> -> memref<1x128x128xf32, #tpu.memory_space<vmem>>
    %dma_start3A_49 = tpu.memref_squeeze %dma_start3A_48 : memref<1x128x128xf32, #tpu.memory_space<vmem>> -> memref<128x128xf32, #tpu.memory_space<vmem>>
    %dma_start3A_50 = arith.constant 0 : i32
    %dma_start3A_51 = tpu.memref_slice %arg7[%dma_start3A_43, %dma_start3A_50] : memref<80x128xi32, #tpu.memory_space<vmem>> -> memref<1x128xi32, #tpu.memory_space<vmem>>
    %dma_start3A_52 = tpu.memref_squeeze %dma_start3A_51 : memref<1x128xi32, #tpu.memory_space<vmem>> -> memref<128xi32, #tpu.memory_space<vmem>>
    %dma_start3A_53 = arith.constant 0 : i32
    %dma_start3A_54 = arith.constant 0 : i32
    %dma_start3A_55 = tpu.memref_slice %arg2[%dma_start3A_53, %dma_start3A_54] : memref<10240x128xf32, #tpu.memory_space<hbm>> -> memref<10240x128xf32, #tpu.memory_space<hbm>>
    %dma_start3A_56 = tpu.memref_slice %arg11[%dma_start3A_45] : memref<2x!tpu.dma_semaphore, #tpu.memory_space<semaphore_mem>> -> memref<1x!tpu.dma_semaphore, #tpu.memory_space<semaphore_mem>>
    %dma_start3A_57 = tpu.memref_squeeze %dma_start3A_56 : memref<1x!tpu.dma_semaphore, #tpu.memory_space<semaphore_mem>> -> memref<!tpu.dma_semaphore, #tpu.memory_space<semaphore_mem>>
    tpu.enqueue_indirect_dma source(%dma_start3A_55 : memref<10240x128xf32, #tpu.memory_space<hbm>>) target(%dma_start3A_49 : memref<128x128xf32, #tpu.memory_space<vmem>>) offsets(%dma_start3A_52 : memref<128xi32, #tpu.memory_space<vmem>>) semaphore(%dma_start3A_57 : memref<!tpu.dma_semaphore, #tpu.memory_space<semaphore_mem>>)
    %scan3A = arith.constant 0 : i32
    %scan3A_58 = arith.constant 0 : i32
    %scan3A_59 = arith.constant 80 : i32
    %scan3A_60 = arith.addi %scan3A_58, %scan3A_59 : i32
    %scan3A_61 = arith.constant 1 : i32
    scf.for %scan3A_83 = %scan3A_58 to %scan3A_60 step %scan3A_61  : i32 {
      %rem3A_84 = arith.constant 2 : i32
      %rem3A_85 = arith.remsi %scan3A_83, %rem3A_84 : i32
      %jit3A = arith.constant 8 : i32
      %div3A = arith.divsi %scan3A_83, %jit3A : i32
      %sign3A = arith.constant 0 : i32
      %sign3A_86 = arith.cmpi sgt, %scan3A_83, %sign3A : i32
      %sign3A_87 = arith.extui %sign3A_86 : i1 to i32
      %sign3A_88 = arith.constant 0 : i32
      %sign3A_89 = arith.cmpi slt, %scan3A_83, %sign3A_88 : i32
      %sign3A_90 = arith.extui %sign3A_89 : i1 to i32
      %sign3A_91 = arith.subi %sign3A_87, %sign3A_90 : i32
      %sign3A_92 = arith.constant 0 : i32
      %sign3A_93 = arith.cmpi sgt, %jit3A, %sign3A_92 : i32
      %sign3A_94 = arith.extui %sign3A_93 : i1 to i32
      %sign3A_95 = arith.constant 0 : i32
      %sign3A_96 = arith.cmpi slt, %jit3A, %sign3A_95 : i32
      %sign3A_97 = arith.extui %sign3A_96 : i1 to i32
      %sign3A_98 = arith.subi %sign3A_94, %sign3A_97 : i32
      %ne3A = arith.cmpi ne, %sign3A_91, %sign3A_98 : i32
      %rem3A_99 = arith.remsi %scan3A_83, %jit3A : i32
      %ne3A_100 = arith.constant 0 : i32
      %ne3A_101 = arith.cmpi ne, %rem3A_99, %ne3A_100 : i32
      %and3A = arith.andi %ne3A, %ne3A_101 : i1
      %sub3A = arith.constant 1 : i32
      %sub3A_102 = arith.subi %div3A, %sub3A : i32
      %select_n3A = arith.select %and3A, %sub3A_102, %div3A : i32
      %rem3A_103 = arith.constant 8 : i32
      %rem3A_104 = arith.remsi %scan3A_83, %rem3A_103 : i32
      %rem3A_105 = arith.constant 3 : i32
      %rem3A_106 = arith.remsi %select_n3A, %rem3A_105 : i32
      %eq3A = arith.constant 0 : i32
      %eq3A_107 = arith.cmpi eq, %rem3A_104, %eq3A : i32
      %convert_element_type3A = arith.extui %eq3A_107 : i1 to i32
      %cond3A = arith.constant 0 : i32
      %cond3A_108 = arith.cmpi ne, %convert_element_type3A, %cond3A : i32
      scf.if %cond3A_108 {
        %rem3A_153 = arith.constant 3 : i32
        %rem3A_154 = arith.remsi %select_n3A, %rem3A_153 : i32
        %mul3A_155 = arith.constant 8 : i32
        %mul3A_156 = arith.muli %select_n3A, %mul3A_155 : i32
        %dma_wait3A_157 = arith.constant 0 : i32
        %dma_wait3A_158 = arith.constant 0 : i32
        %dma_wait3A_159 = tpu.memref_slice %arg8[%rem3A_154, %dma_wait3A_157, %dma_wait3A_158] : memref<3x8x128xi32, #tpu.memory_space<vmem>> -> memref<1x8x128xi32, #tpu.memory_space<vmem>>
        %dma_wait3A_160 = tpu.memref_squeeze %dma_wait3A_159 : memref<1x8x128xi32, #tpu.memory_space<vmem>> -> memref<8x128xi32, #tpu.memory_space<vmem>>
        %dma_wait3A_161 = arith.constant 0 : i32
        %dma_wait3A_162 = tpu.memref_slice %arg4[%add3A, %mul3A_156, %dma_wait3A_161] : memref<32x80x128xi32, #tpu.memory_space<hbm>> -> memref<1x8x128xi32, #tpu.memory_space<hbm>>
        %dma_wait3A_163 = tpu.memref_squeeze %dma_wait3A_162 : memref<1x8x128xi32, #tpu.memory_space<hbm>> -> memref<8x128xi32, #tpu.memory_space<hbm>>
        %dma_wait3A_164 = tpu.memref_slice %arg13[%rem3A_154] : memref<3x!tpu.dma_semaphore, #tpu.memory_space<semaphore_mem>> -> memref<1x!tpu.dma_semaphore, #tpu.memory_space<semaphore_mem>>
        %dma_wait3A_165 = tpu.memref_squeeze %dma_wait3A_164 : memref<1x!tpu.dma_semaphore, #tpu.memory_space<semaphore_mem>> -> memref<!tpu.dma_semaphore, #tpu.memory_space<semaphore_mem>>
        %dma_wait3A_166 = arith.constant 0 : i32
        %dma_wait3A_167 = arith.constant 0 : i32
        %dma_wait3A_168 = tpu.memref_slice %arg8[%rem3A_154, %dma_wait3A_166, %dma_wait3A_167] : memref<3x8x128xi32, #tpu.memory_space<vmem>> -> memref<1x8x128xi32, #tpu.memory_space<vmem>>
        %dma_wait3A_169 = tpu.memref_squeeze %dma_wait3A_168 : memref<1x8x128xi32, #tpu.memory_space<vmem>> -> memref<8x128xi32, #tpu.memory_space<vmem>>
        %dma_wait3A_170 = arith.constant 0 : i32
        %dma_wait3A_171 = tpu.memref_slice %arg4[%add3A, %mul3A_156, %dma_wait3A_170] : memref<32x80x128xi32, #tpu.memory_space<hbm>> -> memref<1x8x128xi32, #tpu.memory_space<hbm>>
        %dma_wait3A_172 = tpu.memref_squeeze %dma_wait3A_171 : memref<1x8x128xi32, #tpu.memory_space<hbm>> -> memref<8x128xi32, #tpu.memory_space<hbm>>
        tpu.wait_dma2 semaphore(%dma_wait3A_165 : memref<!tpu.dma_semaphore, #tpu.memory_space<semaphore_mem>>) src(%dma_wait3A_172 : memref<8x128xi32, #tpu.memory_space<hbm>>) dst(%dma_wait3A_169 : memref<8x128xi32, #tpu.memory_space<vmem>>)
      } else {
      }
      %dma_wait3A_109 = arith.constant 0 : i32
      %dma_wait3A_110 = arith.constant 0 : i32
      %dma_wait3A_111 = tpu.memref_slice %arg9[%rem3A_85, %dma_wait3A_109, %dma_wait3A_110] : memref<2x128x128xf32, #tpu.memory_space<vmem>> -> memref<1x128x128xf32, #tpu.memory_space<vmem>>
      %dma_wait3A_112 = tpu.memref_squeeze %dma_wait3A_111 : memref<1x128x128xf32, #tpu.memory_space<vmem>> -> memref<128x128xf32, #tpu.memory_space<vmem>>
      %dma_wait3A_113 = arith.constant 0 : i32
      %dma_wait3A_114 = tpu.memref_slice %arg7[%scan3A_83, %dma_wait3A_113] : memref<80x128xi32, #tpu.memory_space<vmem>> -> memref<1x128xi32, #tpu.memory_space<vmem>>
      %dma_wait3A_115 = tpu.memref_squeeze %dma_wait3A_114 : memref<1x128xi32, #tpu.memory_space<vmem>> -> memref<128xi32, #tpu.memory_space<vmem>>
      %dma_wait3A_116 = arith.constant 0 : i32
      %dma_wait3A_117 = arith.constant 0 : i32
      %dma_wait3A_118 = tpu.memref_slice %arg2[%dma_wait3A_116, %dma_wait3A_117] : memref<10240x128xf32, #tpu.memory_space<hbm>> -> memref<10240x128xf32, #tpu.memory_space<hbm>>
      %dma_wait3A_119 = tpu.memref_slice %arg11[%rem3A_85] : memref<2x!tpu.dma_semaphore, #tpu.memory_space<semaphore_mem>> -> memref<1x!tpu.dma_semaphore, #tpu.memory_space<semaphore_mem>>
      %dma_wait3A_120 = tpu.memref_squeeze %dma_wait3A_119 : memref<1x!tpu.dma_semaphore, #tpu.memory_space<semaphore_mem>> -> memref<!tpu.dma_semaphore, #tpu.memory_space<semaphore_mem>>
      tpu.wait_indirect_dma semaphore(%dma_wait3A_120 : memref<!tpu.dma_semaphore, #tpu.memory_space<semaphore_mem>>) src(%dma_wait3A_118 : memref<10240x128xf32, #tpu.memory_space<hbm>>) dst(%dma_wait3A_112 : memref<128x128xf32, #tpu.memory_space<vmem>>)
      %dma_start3A_121 = arith.constant 0 : i32
      %dma_start3A_122 = arith.constant 0 : i32
      %dma_start3A_123 = tpu.memref_slice %arg9[%rem3A_85, %dma_start3A_121, %dma_start3A_122] : memref<2x128x128xf32, #tpu.memory_space<vmem>> -> memref<1x128x128xf32, #tpu.memory_space<vmem>>
      %dma_start3A_124 = tpu.memref_squeeze %dma_start3A_123 : memref<1x128x128xf32, #tpu.memory_space<vmem>> -> memref<128x128xf32, #tpu.memory_space<vmem>>
      %dma_start3A_125 = arith.constant 0 : i32
      %dma_start3A_126 = tpu.memref_slice %arg8[%rem3A_106, %rem3A_104, %dma_start3A_125] : memref<3x8x128xi32, #tpu.memory_space<vmem>> -> memref<1x1x128xi32, #tpu.memory_space<vmem>>
      %dma_start3A_127 = tpu.memref_squeeze %dma_start3A_126 : memref<1x1x128xi32, #tpu.memory_space<vmem>> -> memref<128xi32, #tpu.memory_space<vmem>>
      %dma_start3A_128 = arith.constant 0 : i32
      %dma_start3A_129 = arith.constant 0 : i32
      %dma_start3A_130 = tpu.memref_slice %arg10[%dma_start3A_128, %dma_start3A_129] : memref<10112x128xf32, #tpu.memory_space<vmem_shared>> -> memref<10112x128xf32, #tpu.memory_space<vmem_shared>>
      %dma_start3A_131 = tpu.memref_slice %arg12[%rem3A_85] : memref<2x!tpu.dma_semaphore, #tpu.memory_space<semaphore_mem>> -> memref<1x!tpu.dma_semaphore, #tpu.memory_space<semaphore_mem>>
      %dma_start3A_132 = tpu.memref_squeeze %dma_start3A_131 : memref<1x!tpu.dma_semaphore, #tpu.memory_space<semaphore_mem>> -> memref<!tpu.dma_semaphore, #tpu.memory_space<semaphore_mem>>
      tpu.enqueue_indirect_dma source(%dma_start3A_124 : memref<128x128xf32, #tpu.memory_space<vmem>>) target(%dma_start3A_130 : memref<10112x128xf32, #tpu.memory_space<vmem_shared>>) offsets(%dma_start3A_127 : memref<128xi32, #tpu.memory_space<vmem>>) semaphore(%dma_start3A_132 : memref<!tpu.dma_semaphore, #tpu.memory_space<semaphore_mem>>) {add = true}
      %ge3A = arith.constant 1 : i32
      %ge3A_133 = arith.cmpi sge, %scan3A_83, %ge3A : i32
      %convert_element_type3A_134 = arith.extui %ge3A_133 : i1 to i32
      %cond3A_135 = arith.constant 0 : i32
      %cond3A_136 = arith.cmpi ne, %convert_element_type3A_134, %cond3A_135 : i32
      scf.if %cond3A_136 {
        %sub3A_153 = arith.constant 1 : i32
        %sub3A_154 = arith.subi %scan3A_83, %sub3A_153 : i32
        %rem3A_155 = arith.constant 2 : i32
        %rem3A_156 = arith.remsi %sub3A_154, %rem3A_155 : i32
        %jit3A_157 = arith.constant 8 : i32
        %div3A_158 = arith.divsi %sub3A_154, %jit3A_157 : i32
        %sign3A_159 = arith.constant 0 : i32
        %sign3A_160 = arith.cmpi sgt, %sub3A_154, %sign3A_159 : i32
        %sign3A_161 = arith.extui %sign3A_160 : i1 to i32
        %sign3A_162 = arith.constant 0 : i32
        %sign3A_163 = arith.cmpi slt, %sub3A_154, %sign3A_162 : i32
        %sign3A_164 = arith.extui %sign3A_163 : i1 to i32
        %sign3A_165 = arith.subi %sign3A_161, %sign3A_164 : i32
        %sign3A_166 = arith.constant 0 : i32
        %sign3A_167 = arith.cmpi sgt, %jit3A_157, %sign3A_166 : i32
        %sign3A_168 = arith.extui %sign3A_167 : i1 to i32
        %sign3A_169 = arith.constant 0 : i32
        %sign3A_170 = arith.cmpi slt, %jit3A_157, %sign3A_169 : i32
        %sign3A_171 = arith.extui %sign3A_170 : i1 to i32
        %sign3A_172 = arith.subi %sign3A_168, %sign3A_171 : i32
        %ne3A_173 = arith.cmpi ne, %sign3A_165, %sign3A_172 : i32
        %rem3A_174 = arith.remsi %sub3A_154, %jit3A_157 : i32
        %ne3A_175 = arith.constant 0 : i32
        %ne3A_176 = arith.cmpi ne, %rem3A_174, %ne3A_175 : i32
        %and3A_177 = arith.andi %ne3A_173, %ne3A_176 : i1
        %sub3A_178 = arith.constant 1 : i32
        %sub3A_179 = arith.subi %div3A_158, %sub3A_178 : i32
        %select_n3A_180 = arith.select %and3A_177, %sub3A_179, %div3A_158 : i32
        %rem3A_181 = arith.constant 3 : i32
        %rem3A_182 = arith.remsi %select_n3A_180, %rem3A_181 : i32
        %rem3A_183 = arith.constant 8 : i32
        %rem3A_184 = arith.remsi %sub3A_154, %rem3A_183 : i32
        %dma_wait3A_185 = arith.constant 0 : i32
        %dma_wait3A_186 = arith.constant 0 : i32
        %dma_wait3A_187 = tpu.memref_slice %arg9[%rem3A_156, %dma_wait3A_185, %dma_wait3A_186] : memref<2x128x128xf32, #tpu.memory_space<vmem>> -> memref<1x128x128xf32, #tpu.memory_space<vmem>>
        %dma_wait3A_188 = tpu.memref_squeeze %dma_wait3A_187 : memref<1x128x128xf32, #tpu.memory_space<vmem>> -> memref<128x128xf32, #tpu.memory_space<vmem>>
        %dma_wait3A_189 = arith.constant 0 : i32
        %dma_wait3A_190 = tpu.memref_slice %arg8[%rem3A_182, %rem3A_184, %dma_wait3A_189] : memref<3x8x128xi32, #tpu.memory_space<vmem>> -> memref<1x1x128xi32, #tpu.memory_space<vmem>>
        %dma_wait3A_191 = tpu.memref_squeeze %dma_wait3A_190 : memref<1x1x128xi32, #tpu.memory_space<vmem>> -> memref<128xi32, #tpu.memory_space<vmem>>
        %dma_wait3A_192 = arith.constant 0 : i32
        %dma_wait3A_193 = arith.constant 0 : i32
        %dma_wait3A_194 = tpu.memref_slice %arg10[%dma_wait3A_192, %dma_wait3A_193] : memref<10112x128xf32, #tpu.memory_space<vmem_shared>> -> memref<10112x128xf32, #tpu.memory_space<vmem_shared>>
        %dma_wait3A_195 = tpu.memref_slice %arg12[%rem3A_156] : memref<2x!tpu.dma_semaphore, #tpu.memory_space<semaphore_mem>> -> memref<1x!tpu.dma_semaphore, #tpu.memory_space<semaphore_mem>>
        %dma_wait3A_196 = tpu.memref_squeeze %dma_wait3A_195 : memref<1x!tpu.dma_semaphore, #tpu.memory_space<semaphore_mem>> -> memref<!tpu.dma_semaphore, #tpu.memory_space<semaphore_mem>>
        tpu.wait_indirect_dma semaphore(%dma_wait3A_196 : memref<!tpu.dma_semaphore, #tpu.memory_space<semaphore_mem>>) src(%dma_wait3A_188 : memref<128x128xf32, #tpu.memory_space<vmem>>) dst(%dma_wait3A_194 : memref<10112x128xf32, #tpu.memory_space<vmem_shared>>)
      } else {
      }
      %eq3A_137 = arith.constant 0 : i32
      %eq3A_138 = arith.cmpi eq, %rem3A_104, %eq3A_137 : i32
      %add3A_139 = arith.constant 2 : i32
      %add3A_140 = arith.addi %select_n3A, %add3A_139 : i32
      %lt3A = arith.constant 10 : i32
      %lt3A_141 = arith.cmpi slt, %add3A_140, %lt3A : i32
      %and3A_142 = arith.andi %eq3A_138, %lt3A_141 : i1
      %convert_element_type3A_143 = arith.extui %and3A_142 : i1 to i32
      %cond3A_144 = arith.constant 0 : i32
      %cond3A_145 = arith.cmpi ne, %convert_element_type3A_143, %cond3A_144 : i32
      scf.if %cond3A_145 {
        %add3A_153 = arith.constant 2 : i32
        %add3A_154 = arith.addi %select_n3A, %add3A_153 : i32
        %rem3A_155 = arith.constant 3 : i32
        %rem3A_156 = arith.remsi %add3A_154, %rem3A_155 : i32
        %mul3A_157 = arith.constant 8 : i32
        %mul3A_158 = arith.muli %add3A_154, %mul3A_157 : i32
        %dma_start3A_159 = arith.constant 0 : i32
        %dma_start3A_160 = arith.constant 0 : i32
        %dma_start3A_161 = tpu.memref_slice %arg8[%rem3A_156, %dma_start3A_159, %dma_start3A_160] : memref<3x8x128xi32, #tpu.memory_space<vmem>> -> memref<1x8x128xi32, #tpu.memory_space<vmem>>
        %dma_start3A_162 = tpu.memref_squeeze %dma_start3A_161 : memref<1x8x128xi32, #tpu.memory_space<vmem>> -> memref<8x128xi32, #tpu.memory_space<vmem>>
        %dma_start3A_163 = arith.constant 0 : i32
        %dma_start3A_164 = tpu.memref_slice %arg4[%add3A, %mul3A_158, %dma_start3A_163] : memref<32x80x128xi32, #tpu.memory_space<hbm>> -> memref<1x8x128xi32, #tpu.memory_space<hbm>>
        %dma_start3A_165 = tpu.memref_squeeze %dma_start3A_164 : memref<1x8x128xi32, #tpu.memory_space<hbm>> -> memref<8x128xi32, #tpu.memory_space<hbm>>
        %dma_start3A_166 = tpu.memref_slice %arg13[%rem3A_156] : memref<3x!tpu.dma_semaphore, #tpu.memory_space<semaphore_mem>> -> memref<1x!tpu.dma_semaphore, #tpu.memory_space<semaphore_mem>>
        %dma_start3A_167 = tpu.memref_squeeze %dma_start3A_166 : memref<1x!tpu.dma_semaphore, #tpu.memory_space<semaphore_mem>> -> memref<!tpu.dma_semaphore, #tpu.memory_space<semaphore_mem>>
        %dma_start3A_168 = arith.constant 0 : i32
        %dma_start3A_169 = arith.constant 0 : i32
        %dma_start3A_170 = tpu.memref_slice %arg8[%rem3A_156, %dma_start3A_168, %dma_start3A_169] : memref<3x8x128xi32, #tpu.memory_space<vmem>> -> memref<1x8x128xi32, #tpu.memory_space<vmem>>
        %dma_start3A_171 = tpu.memref_squeeze %dma_start3A_170 : memref<1x8x128xi32, #tpu.memory_space<vmem>> -> memref<8x128xi32, #tpu.memory_space<vmem>>
        %dma_start3A_172 = arith.constant 0 : i32
        %dma_start3A_173 = tpu.memref_slice %arg4[%add3A, %mul3A_158, %dma_start3A_172] : memref<32x80x128xi32, #tpu.memory_space<hbm>> -> memref<1x8x128xi32, #tpu.memory_space<hbm>>
        %dma_start3A_174 = tpu.memref_squeeze %dma_start3A_173 : memref<1x8x128xi32, #tpu.memory_space<hbm>> -> memref<8x128xi32, #tpu.memory_space<hbm>>
        tpu.enqueue_dma source(%dma_start3A_174 : memref<8x128xi32, #tpu.memory_space<hbm>>) target(%dma_start3A_171 : memref<8x128xi32, #tpu.memory_space<vmem>>) target_semaphore(%dma_start3A_167 : memref<!tpu.dma_semaphore, #tpu.memory_space<semaphore_mem>>)
      } else {
      }
      %add3A_146 = arith.constant 1 : i32
      %add3A_147 = arith.addi %scan3A_83, %add3A_146 : i32
      %lt3A_148 = arith.constant 80 : i32
      %lt3A_149 = arith.cmpi slt, %add3A_147, %lt3A_148 : i32
      %convert_element_type3A_150 = arith.extui %lt3A_149 : i1 to i32
      %cond3A_151 = arith.constant 0 : i32
      %cond3A_152 = arith.cmpi ne, %convert_element_type3A_150, %cond3A_151 : i32
      scf.if %cond3A_152 {
        %add3A_153 = arith.constant 1 : i32
        %add3A_154 = arith.addi %scan3A_83, %add3A_153 : i32
        %add3A_155 = arith.constant 1 : i32
        %add3A_156 = arith.addi %scan3A_83, %add3A_155 : i32
        %rem3A_157 = arith.constant 2 : i32
        %rem3A_158 = arith.remsi %add3A_156, %rem3A_157 : i32
        %dma_start3A_159 = arith.constant 0 : i32
        %dma_start3A_160 = arith.constant 0 : i32
        %dma_start3A_161 = tpu.memref_slice %arg9[%rem3A_158, %dma_start3A_159, %dma_start3A_160] : memref<2x128x128xf32, #tpu.memory_space<vmem>> -> memref<1x128x128xf32, #tpu.memory_space<vmem>>
        %dma_start3A_162 = tpu.memref_squeeze %dma_start3A_161 : memref<1x128x128xf32, #tpu.memory_space<vmem>> -> memref<128x128xf32, #tpu.memory_space<vmem>>
        %dma_start3A_163 = arith.constant 0 : i32
        %dma_start3A_164 = tpu.memref_slice %arg7[%add3A_154, %dma_start3A_163] : memref<80x128xi32, #tpu.memory_space<vmem>> -> memref<1x128xi32, #tpu.memory_space<vmem>>
        %dma_start3A_165 = tpu.memref_squeeze %dma_start3A_164 : memref<1x128xi32, #tpu.memory_space<vmem>> -> memref<128xi32, #tpu.memory_space<vmem>>
        %dma_start3A_166 = arith.constant 0 : i32
        %dma_start3A_167 = arith.constant 0 : i32
        %dma_start3A_168 = tpu.memref_slice %arg2[%dma_start3A_166, %dma_start3A_167] : memref<10240x128xf32, #tpu.memory_space<hbm>> -> memref<10240x128xf32, #tpu.memory_space<hbm>>
        %dma_start3A_169 = tpu.memref_slice %arg11[%rem3A_158] : memref<2x!tpu.dma_semaphore, #tpu.memory_space<semaphore_mem>> -> memref<1x!tpu.dma_semaphore, #tpu.memory_space<semaphore_mem>>
        %dma_start3A_170 = tpu.memref_squeeze %dma_start3A_169 : memref<1x!tpu.dma_semaphore, #tpu.memory_space<semaphore_mem>> -> memref<!tpu.dma_semaphore, #tpu.memory_space<semaphore_mem>>
        tpu.enqueue_indirect_dma source(%dma_start3A_168 : memref<10240x128xf32, #tpu.memory_space<hbm>>) target(%dma_start3A_162 : memref<128x128xf32, #tpu.memory_space<vmem>>) offsets(%dma_start3A_165 : memref<128xi32, #tpu.memory_space<vmem>>) semaphore(%dma_start3A_170 : memref<!tpu.dma_semaphore, #tpu.memory_space<semaphore_mem>>)
      } else {
      }
    }
    %scan3A_62 = arith.constant 80 : i32
    %dma_wait3A = arith.constant 1 : i32
    %dma_wait3A_63 = arith.constant 0 : i32
    %dma_wait3A_64 = arith.constant 7 : i32
    %dma_wait3A_65 = arith.constant 1 : i32
    %dma_wait3A_66 = arith.constant 0 : i32
    %dma_wait3A_67 = arith.constant 0 : i32
    %dma_wait3A_68 = tpu.memref_slice %arg9[%dma_wait3A, %dma_wait3A_66, %dma_wait3A_67] : memref<2x128x128xf32, #tpu.memory_space<vmem>> -> memref<1x128x128xf32, #tpu.memory_space<vmem>>
    %dma_wait3A_69 = tpu.memref_squeeze %dma_wait3A_68 : memref<1x128x128xf32, #tpu.memory_space<vmem>> -> memref<128x128xf32, #tpu.memory_space<vmem>>
    %dma_wait3A_70 = arith.constant 0 : i32
    %dma_wait3A_71 = tpu.memref_slice %arg8[%dma_wait3A_63, %dma_wait3A_64, %dma_wait3A_70] : memref<3x8x128xi32, #tpu.memory_space<vmem>> -> memref<1x1x128xi32, #tpu.memory_space<vmem>>
    %dma_wait3A_72 = tpu.memref_squeeze %dma_wait3A_71 : memref<1x1x128xi32, #tpu.memory_space<vmem>> -> memref<128xi32, #tpu.memory_space<vmem>>
    %dma_wait3A_73 = arith.constant 0 : i32
    %dma_wait3A_74 = arith.constant 0 : i32
    %dma_wait3A_75 = tpu.memref_slice %arg10[%dma_wait3A_73, %dma_wait3A_74] : memref<10112x128xf32, #tpu.memory_space<vmem_shared>> -> memref<10112x128xf32, #tpu.memory_space<vmem_shared>>
    %dma_wait3A_76 = tpu.memref_slice %arg12[%dma_wait3A_65] : memref<2x!tpu.dma_semaphore, #tpu.memory_space<semaphore_mem>> -> memref<1x!tpu.dma_semaphore, #tpu.memory_space<semaphore_mem>>
    %dma_wait3A_77 = tpu.memref_squeeze %dma_wait3A_76 : memref<1x!tpu.dma_semaphore, #tpu.memory_space<semaphore_mem>> -> memref<!tpu.dma_semaphore, #tpu.memory_space<semaphore_mem>>
    tpu.wait_indirect_dma semaphore(%dma_wait3A_77 : memref<!tpu.dma_semaphore, #tpu.memory_space<semaphore_mem>>) src(%dma_wait3A_69 : memref<128x128xf32, #tpu.memory_space<vmem>>) dst(%dma_wait3A_75 : memref<10112x128xf32, #tpu.memory_space<vmem_shared>>)
    %barrier3A_78 = arith.constant 0 : index
    tpu.barrier barrier_id(%barrier3A_78)
    %mul3A_79 = arith.constant 632 : i32
    %mul3A_80 = arith.muli %arg1, %mul3A_79 : i32
    %mul3A_81 = arith.constant 632 : i32
    %mul3A_82 = arith.muli %arg1, %mul3A_81 : i32
    "tpu.region"() ({
      %run_scoped3A = tpu.sem_alloc : memref<!tpu.dma_semaphore, #tpu.memory_space<semaphore_mem>>
      %dma_start3A_83 = arith.constant 0 : i32
      %dma_start3A_84 = tpu.memref_slice %arg6[%arg0, %mul3A_82, %dma_start3A_83] : memref<2x10240x128xf32, #tpu.memory_space<hbm>> -> memref<1x632x128xf32, #tpu.memory_space<hbm>>
      %dma_start3A_85 = tpu.memref_squeeze %dma_start3A_84 : memref<1x632x128xf32, #tpu.memory_space<hbm>> -> memref<632x128xf32, #tpu.memory_space<hbm>>
      %dma_start3A_86 = arith.constant 0 : i32
      %dma_start3A_87 = tpu.memref_slice %arg10[%mul3A_80, %dma_start3A_86] : memref<10112x128xf32, #tpu.memory_space<vmem_shared>> -> memref<632x128xf32, #tpu.memory_space<vmem_shared>>
      tpu.enqueue_dma source(%dma_start3A_87 : memref<632x128xf32, #tpu.memory_space<vmem_shared>>) target(%dma_start3A_85 : memref<632x128xf32, #tpu.memory_space<hbm>>) target_semaphore(%run_scoped3A : memref<!tpu.dma_semaphore, #tpu.memory_space<semaphore_mem>>)
      %dma_wait3A_88 = arith.constant 0 : i32
      %dma_wait3A_89 = tpu.memref_slice %arg6[%arg0, %mul3A_82, %dma_wait3A_88] : memref<2x10240x128xf32, #tpu.memory_space<hbm>> -> memref<1x632x128xf32, #tpu.memory_space<hbm>>
      %dma_wait3A_90 = tpu.memref_squeeze %dma_wait3A_89 : memref<1x632x128xf32, #tpu.memory_space<hbm>> -> memref<632x128xf32, #tpu.memory_space<hbm>>
      %dma_wait3A_91 = arith.constant 0 : i32
      %dma_wait3A_92 = tpu.memref_slice %arg10[%mul3A_80, %dma_wait3A_91] : memref<10112x128xf32, #tpu.memory_space<vmem_shared>> -> memref<632x128xf32, #tpu.memory_space<vmem_shared>>
      tpu.wait_dma2 semaphore(%run_scoped3A : memref<!tpu.dma_semaphore, #tpu.memory_space<semaphore_mem>>) src(%dma_wait3A_92 : memref<632x128xf32, #tpu.memory_space<vmem_shared>>) dst(%dma_wait3A_90 : memref<632x128xf32, #tpu.memory_space<hbm>>)
      tpu.yield
    }) : () -> ()
    return
  }
}

#map = affine_map<(d0, d1) -> (0, 0)>
#map1 = affine_map<(d0, d1) -> (0, 0, 0)>
module attributes {stable_mosaic.version = 14 : i64} {
  func.func @sc_agg(%arg0: i32, %arg1: i32, %arg2: memref<10240x128xf32, #tpu.memory_space<hbm>>, %arg3: memref<32x80x128xi32, #tpu.memory_space<hbm>>, %arg4: memref<32x80x128xi32, #tpu.memory_space<hbm>>, %arg5: memref<632x128xf32, #tpu.memory_space<hbm>>, %arg6: memref<2x10240x128xf32, #tpu.memory_space<hbm>>, %arg7: memref<80x128xi32, #tpu.memory_space<vmem>>, %arg8: memref<3x8x128xi32, #tpu.memory_space<vmem>>, %arg9: memref<2x128x128xf32, #tpu.memory_space<vmem>>, %arg10: memref<10112x128xf32, #tpu.memory_space<vmem_shared>>, %arg11: memref<2x!tpu.dma_semaphore, #tpu.memory_space<semaphore_mem>>, %arg12: memref<2x!tpu.dma_semaphore, #tpu.memory_space<semaphore_mem>>, %arg13: memref<3x!tpu.dma_semaphore, #tpu.memory_space<semaphore_mem>>) attributes {dimension_semantics = [#tpu.dimension_semantics<core_parallel>, #tpu.dimension_semantics<subcore_parallel>], iteration_bounds = array<i64: 2, 16>, scalar_prefetch = 0 : i64, scratch_operands = 7 : i64, tpu.core_type = #tpu.core_type<sc_vector_subcore>, window_params = [{transform_indices = #map}, {transform_indices = #map1}, {transform_indices = #map1}, {transform_indices = #map}, {transform_indices = #map1}]} {
    %mul3A = arith.constant 2 : i32
    %mul3A_0 = arith.muli %arg1, %mul3A : i32
    %add3A = arith.addi %mul3A_0, %arg0 : i32
    %mul3A_1 = arith.constant 632 : i32
    %mul3A_2 = arith.muli %arg1, %mul3A_1 : i32
    "tpu.region"() ({
      %run_scoped3A = tpu.sem_alloc : memref<!tpu.dma_semaphore, #tpu.memory_space<semaphore_mem>>
      %dma_start3A_83 = arith.constant 0 : i32
      %dma_start3A_84 = tpu.memref_slice %arg10[%mul3A_2, %dma_start3A_83] : memref<10112x128xf32, #tpu.memory_space<vmem_shared>> -> memref<632x128xf32, #tpu.memory_space<vmem_shared>>
      tpu.enqueue_dma source(%arg5 : memref<632x128xf32, #tpu.memory_space<hbm>>) target(%dma_start3A_84 : memref<632x128xf32, #tpu.memory_space<vmem_shared>>) target_semaphore(%run_scoped3A : memref<!tpu.dma_semaphore, #tpu.memory_space<semaphore_mem>>)
      %dma_wait3A_85 = arith.constant 0 : i32
      %dma_wait3A_86 = tpu.memref_slice %arg10[%mul3A_2, %dma_wait3A_85] : memref<10112x128xf32, #tpu.memory_space<vmem_shared>> -> memref<632x128xf32, #tpu.memory_space<vmem_shared>>
      tpu.wait_dma2 semaphore(%run_scoped3A : memref<!tpu.dma_semaphore, #tpu.memory_space<semaphore_mem>>) src(%arg5 : memref<632x128xf32, #tpu.memory_space<hbm>>) dst(%dma_wait3A_86 : memref<632x128xf32, #tpu.memory_space<vmem_shared>>)
      tpu.yield
    }) : () -> ()
    "tpu.region"() ({
      %run_scoped3A = tpu.sem_alloc : memref<!tpu.dma_semaphore, #tpu.memory_space<semaphore_mem>>
      %dma_start3A_83 = arith.constant 0 : i32
      %dma_start3A_84 = arith.constant 0 : i32
      %dma_start3A_85 = tpu.memref_slice %arg3[%add3A, %dma_start3A_83, %dma_start3A_84] : memref<32x80x128xi32, #tpu.memory_space<hbm>> -> memref<1x80x128xi32, #tpu.memory_space<hbm>>
      %dma_start3A_86 = tpu.memref_squeeze %dma_start3A_85 : memref<1x80x128xi32, #tpu.memory_space<hbm>> -> memref<80x128xi32, #tpu.memory_space<hbm>>
      %dma_start3A_87 = arith.constant 0 : i32
      %dma_start3A_88 = arith.constant 0 : i32
      %dma_start3A_89 = tpu.memref_slice %arg3[%add3A, %dma_start3A_87, %dma_start3A_88] : memref<32x80x128xi32, #tpu.memory_space<hbm>> -> memref<1x80x128xi32, #tpu.memory_space<hbm>>
      %dma_start3A_90 = tpu.memref_squeeze %dma_start3A_89 : memref<1x80x128xi32, #tpu.memory_space<hbm>> -> memref<80x128xi32, #tpu.memory_space<hbm>>
      tpu.enqueue_dma source(%dma_start3A_90 : memref<80x128xi32, #tpu.memory_space<hbm>>) target(%arg7 : memref<80x128xi32, #tpu.memory_space<vmem>>) target_semaphore(%run_scoped3A : memref<!tpu.dma_semaphore, #tpu.memory_space<semaphore_mem>>)
      %dma_wait3A_91 = arith.constant 0 : i32
      %dma_wait3A_92 = arith.constant 0 : i32
      %dma_wait3A_93 = tpu.memref_slice %arg3[%add3A, %dma_wait3A_91, %dma_wait3A_92] : memref<32x80x128xi32, #tpu.memory_space<hbm>> -> memref<1x80x128xi32, #tpu.memory_space<hbm>>
      %dma_wait3A_94 = tpu.memref_squeeze %dma_wait3A_93 : memref<1x80x128xi32, #tpu.memory_space<hbm>> -> memref<80x128xi32, #tpu.memory_space<hbm>>
      %dma_wait3A_95 = arith.constant 0 : i32
      %dma_wait3A_96 = arith.constant 0 : i32
      %dma_wait3A_97 = tpu.memref_slice %arg3[%add3A, %dma_wait3A_95, %dma_wait3A_96] : memref<32x80x128xi32, #tpu.memory_space<hbm>> -> memref<1x80x128xi32, #tpu.memory_space<hbm>>
      %dma_wait3A_98 = tpu.memref_squeeze %dma_wait3A_97 : memref<1x80x128xi32, #tpu.memory_space<hbm>> -> memref<80x128xi32, #tpu.memory_space<hbm>>
      tpu.wait_dma2 semaphore(%run_scoped3A : memref<!tpu.dma_semaphore, #tpu.memory_space<semaphore_mem>>) src(%dma_wait3A_98 : memref<80x128xi32, #tpu.memory_space<hbm>>) dst(%arg7 : memref<80x128xi32, #tpu.memory_space<vmem>>)
      tpu.yield
    }) : () -> ()
    %rem3A = arith.constant 0 : i32
    %rem3A_3 = arith.constant 3 : i32
    %rem3A_4 = arith.remsi %rem3A, %rem3A_3 : i32
    %dma_start3A = arith.constant 0 : i32
    %dma_start3A_5 = arith.constant 0 : i32
    %dma_start3A_6 = tpu.memref_slice %arg8[%rem3A_4, %dma_start3A, %dma_start3A_5] : memref<3x8x128xi32, #tpu.memory_space<vmem>> -> memref<1x8x128xi32, #tpu.memory_space<vmem>>
    %dma_start3A_7 = tpu.memref_squeeze %dma_start3A_6 : memref<1x8x128xi32, #tpu.memory_space<vmem>> -> memref<8x128xi32, #tpu.memory_space<vmem>>
    %dma_start3A_8 = arith.constant 0 : i32
    %dma_start3A_9 = arith.constant 0 : i32
    %dma_start3A_10 = tpu.memref_slice %arg4[%add3A, %dma_start3A_8, %dma_start3A_9] : memref<32x80x128xi32, #tpu.memory_space<hbm>> -> memref<1x8x128xi32, #tpu.memory_space<hbm>>
    %dma_start3A_11 = tpu.memref_squeeze %dma_start3A_10 : memref<1x8x128xi32, #tpu.memory_space<hbm>> -> memref<8x128xi32, #tpu.memory_space<hbm>>
    %dma_start3A_12 = tpu.memref_slice %arg13[%rem3A_4] : memref<3x!tpu.dma_semaphore, #tpu.memory_space<semaphore_mem>> -> memref<1x!tpu.dma_semaphore, #tpu.memory_space<semaphore_mem>>
    %dma_start3A_13 = tpu.memref_squeeze %dma_start3A_12 : memref<1x!tpu.dma_semaphore, #tpu.memory_space<semaphore_mem>> -> memref<!tpu.dma_semaphore, #tpu.memory_space<semaphore_mem>>
    %dma_start3A_14 = arith.constant 0 : i32
    %dma_start3A_15 = arith.constant 0 : i32
    %dma_start3A_16 = tpu.memref_slice %arg8[%rem3A_4, %dma_start3A_14, %dma_start3A_15] : memref<3x8x128xi32, #tpu.memory_space<vmem>> -> memref<1x8x128xi32, #tpu.memory_space<vmem>>
    %dma_start3A_17 = tpu.memref_squeeze %dma_start3A_16 : memref<1x8x128xi32, #tpu.memory_space<vmem>> -> memref<8x128xi32, #tpu.memory_space<vmem>>
    %dma_start3A_18 = arith.constant 0 : i32
    %dma_start3A_19 = arith.constant 0 : i32
    %dma_start3A_20 = tpu.memref_slice %arg4[%add3A, %dma_start3A_18, %dma_start3A_19] : memref<32x80x128xi32, #tpu.memory_space<hbm>> -> memref<1x8x128xi32, #tpu.memory_space<hbm>>
    %dma_start3A_21 = tpu.memref_squeeze %dma_start3A_20 : memref<1x8x128xi32, #tpu.memory_space<hbm>> -> memref<8x128xi32, #tpu.memory_space<hbm>>
    tpu.enqueue_dma source(%dma_start3A_21 : memref<8x128xi32, #tpu.memory_space<hbm>>) target(%dma_start3A_17 : memref<8x128xi32, #tpu.memory_space<vmem>>) target_semaphore(%dma_start3A_13 : memref<!tpu.dma_semaphore, #tpu.memory_space<semaphore_mem>>)
    %rem3A_22 = arith.constant 1 : i32
    %rem3A_23 = arith.constant 3 : i32
    %rem3A_24 = arith.remsi %rem3A_22, %rem3A_23 : i32
    %dma_start3A_25 = arith.constant 0 : i32
    %dma_start3A_26 = arith.constant 0 : i32
    %dma_start3A_27 = tpu.memref_slice %arg8[%rem3A_24, %dma_start3A_25, %dma_start3A_26] : memref<3x8x128xi32, #tpu.memory_space<vmem>> -> memref<1x8x128xi32, #tpu.memory_space<vmem>>
    %dma_start3A_28 = tpu.memref_squeeze %dma_start3A_27 : memref<1x8x128xi32, #tpu.memory_space<vmem>> -> memref<8x128xi32, #tpu.memory_space<vmem>>
    %dma_start3A_29 = arith.constant 8 : i32
    %dma_start3A_30 = arith.constant 0 : i32
    %dma_start3A_31 = tpu.memref_slice %arg4[%add3A, %dma_start3A_29, %dma_start3A_30] : memref<32x80x128xi32, #tpu.memory_space<hbm>> -> memref<1x8x128xi32, #tpu.memory_space<hbm>>
    %dma_start3A_32 = tpu.memref_squeeze %dma_start3A_31 : memref<1x8x128xi32, #tpu.memory_space<hbm>> -> memref<8x128xi32, #tpu.memory_space<hbm>>
    %dma_start3A_33 = tpu.memref_slice %arg13[%rem3A_24] : memref<3x!tpu.dma_semaphore, #tpu.memory_space<semaphore_mem>> -> memref<1x!tpu.dma_semaphore, #tpu.memory_space<semaphore_mem>>
    %dma_start3A_34 = tpu.memref_squeeze %dma_start3A_33 : memref<1x!tpu.dma_semaphore, #tpu.memory_space<semaphore_mem>> -> memref<!tpu.dma_semaphore, #tpu.memory_space<semaphore_mem>>
    %dma_start3A_35 = arith.constant 0 : i32
    %dma_start3A_36 = arith.constant 0 : i32
    %dma_start3A_37 = tpu.memref_slice %arg8[%rem3A_24, %dma_start3A_35, %dma_start3A_36] : memref<3x8x128xi32, #tpu.memory_space<vmem>> -> memref<1x8x128xi32, #tpu.memory_space<vmem>>
    %dma_start3A_38 = tpu.memref_squeeze %dma_start3A_37 : memref<1x8x128xi32, #tpu.memory_space<vmem>> -> memref<8x128xi32, #tpu.memory_space<vmem>>
    %dma_start3A_39 = arith.constant 8 : i32
    %dma_start3A_40 = arith.constant 0 : i32
    %dma_start3A_41 = tpu.memref_slice %arg4[%add3A, %dma_start3A_39, %dma_start3A_40] : memref<32x80x128xi32, #tpu.memory_space<hbm>> -> memref<1x8x128xi32, #tpu.memory_space<hbm>>
    %dma_start3A_42 = tpu.memref_squeeze %dma_start3A_41 : memref<1x8x128xi32, #tpu.memory_space<hbm>> -> memref<8x128xi32, #tpu.memory_space<hbm>>
    tpu.enqueue_dma source(%dma_start3A_42 : memref<8x128xi32, #tpu.memory_space<hbm>>) target(%dma_start3A_38 : memref<8x128xi32, #tpu.memory_space<vmem>>) target_semaphore(%dma_start3A_34 : memref<!tpu.dma_semaphore, #tpu.memory_space<semaphore_mem>>)
    %barrier3A = arith.constant 0 : index
    tpu.barrier barrier_id(%barrier3A)
    %dma_start3A_43 = arith.constant 0 : i32
    %dma_start3A_44 = arith.constant 0 : i32
    %dma_start3A_45 = arith.constant 0 : i32
    %dma_start3A_46 = arith.constant 0 : i32
    %dma_start3A_47 = arith.constant 0 : i32
    %dma_start3A_48 = tpu.memref_slice %arg9[%dma_start3A_44, %dma_start3A_46, %dma_start3A_47] : memref<2x128x128xf32, #tpu.memory_space<vmem>> -> memref<1x128x128xf32, #tpu.memory_space<vmem>>
    %dma_start3A_49 = tpu.memref_squeeze %dma_start3A_48 : memref<1x128x128xf32, #tpu.memory_space<vmem>> -> memref<128x128xf32, #tpu.memory_space<vmem>>
    %dma_start3A_50 = arith.constant 0 : i32
    %dma_start3A_51 = tpu.memref_slice %arg7[%dma_start3A_43, %dma_start3A_50] : memref<80x128xi32, #tpu.memory_space<vmem>> -> memref<1x128xi32, #tpu.memory_space<vmem>>
    %dma_start3A_52 = tpu.memref_squeeze %dma_start3A_51 : memref<1x128xi32, #tpu.memory_space<vmem>> -> memref<128xi32, #tpu.memory_space<vmem>>
    %dma_start3A_53 = arith.constant 0 : i32
    %dma_start3A_54 = arith.constant 0 : i32
    %dma_start3A_55 = tpu.memref_slice %arg2[%dma_start3A_53, %dma_start3A_54] : memref<10240x128xf32, #tpu.memory_space<hbm>> -> memref<10240x128xf32, #tpu.memory_space<hbm>>
    %dma_start3A_56 = tpu.memref_slice %arg11[%dma_start3A_45] : memref<2x!tpu.dma_semaphore, #tpu.memory_space<semaphore_mem>> -> memref<1x!tpu.dma_semaphore, #tpu.memory_space<semaphore_mem>>
    %dma_start3A_57 = tpu.memref_squeeze %dma_start3A_56 : memref<1x!tpu.dma_semaphore, #tpu.memory_space<semaphore_mem>> -> memref<!tpu.dma_semaphore, #tpu.memory_space<semaphore_mem>>
    tpu.enqueue_indirect_dma source(%dma_start3A_55 : memref<10240x128xf32, #tpu.memory_space<hbm>>) target(%dma_start3A_49 : memref<128x128xf32, #tpu.memory_space<vmem>>) offsets(%dma_start3A_52 : memref<128xi32, #tpu.memory_space<vmem>>) semaphore(%dma_start3A_57 : memref<!tpu.dma_semaphore, #tpu.memory_space<semaphore_mem>>)
    %scan3A = arith.constant 0 : i32
    %scan3A_58 = arith.constant 0 : i32
    %scan3A_59 = arith.constant 80 : i32
    %scan3A_60 = arith.addi %scan3A_58, %scan3A_59 : i32
    %scan3A_61 = arith.constant 1 : i32
    scf.for %scan3A_83 = %scan3A_58 to %scan3A_60 step %scan3A_61  : i32 {
      %rem3A_84 = arith.constant 2 : i32
      %rem3A_85 = arith.remsi %scan3A_83, %rem3A_84 : i32
      %jit3A = arith.constant 8 : i32
      %div3A = arith.divsi %scan3A_83, %jit3A : i32
      %sign3A = arith.constant 0 : i32
      %sign3A_86 = arith.cmpi sgt, %scan3A_83, %sign3A : i32
      %sign3A_87 = arith.extui %sign3A_86 : i1 to i32
      %sign3A_88 = arith.constant 0 : i32
      %sign3A_89 = arith.cmpi slt, %scan3A_83, %sign3A_88 : i32
      %sign3A_90 = arith.extui %sign3A_89 : i1 to i32
      %sign3A_91 = arith.subi %sign3A_87, %sign3A_90 : i32
      %sign3A_92 = arith.constant 0 : i32
      %sign3A_93 = arith.cmpi sgt, %jit3A, %sign3A_92 : i32
      %sign3A_94 = arith.extui %sign3A_93 : i1 to i32
      %sign3A_95 = arith.constant 0 : i32
      %sign3A_96 = arith.cmpi slt, %jit3A, %sign3A_95 : i32
      %sign3A_97 = arith.extui %sign3A_96 : i1 to i32
      %sign3A_98 = arith.subi %sign3A_94, %sign3A_97 : i32
      %ne3A = arith.cmpi ne, %sign3A_91, %sign3A_98 : i32
      %rem3A_99 = arith.remsi %scan3A_83, %jit3A : i32
      %ne3A_100 = arith.constant 0 : i32
      %ne3A_101 = arith.cmpi ne, %rem3A_99, %ne3A_100 : i32
      %and3A = arith.andi %ne3A, %ne3A_101 : i1
      %sub3A = arith.constant 1 : i32
      %sub3A_102 = arith.subi %div3A, %sub3A : i32
      %select_n3A = arith.select %and3A, %sub3A_102, %div3A : i32
      %rem3A_103 = arith.constant 8 : i32
      %rem3A_104 = arith.remsi %scan3A_83, %rem3A_103 : i32
      %rem3A_105 = arith.constant 3 : i32
      %rem3A_106 = arith.remsi %select_n3A, %rem3A_105 : i32
      %eq3A = arith.constant 0 : i32
      %eq3A_107 = arith.cmpi eq, %rem3A_104, %eq3A : i32
      %convert_element_type3A = arith.extui %eq3A_107 : i1 to i32
      %cond3A = arith.constant 0 : i32
      %cond3A_108 = arith.cmpi ne, %convert_element_type3A, %cond3A : i32
      scf.if %cond3A_108 {
        %rem3A_153 = arith.constant 3 : i32
        %rem3A_154 = arith.remsi %select_n3A, %rem3A_153 : i32
        %mul3A_155 = arith.constant 8 : i32
        %mul3A_156 = arith.muli %select_n3A, %mul3A_155 : i32
        %dma_wait3A_157 = arith.constant 0 : i32
        %dma_wait3A_158 = arith.constant 0 : i32
        %dma_wait3A_159 = tpu.memref_slice %arg8[%rem3A_154, %dma_wait3A_157, %dma_wait3A_158] : memref<3x8x128xi32, #tpu.memory_space<vmem>> -> memref<1x8x128xi32, #tpu.memory_space<vmem>>
        %dma_wait3A_160 = tpu.memref_squeeze %dma_wait3A_159 : memref<1x8x128xi32, #tpu.memory_space<vmem>> -> memref<8x128xi32, #tpu.memory_space<vmem>>
        %dma_wait3A_161 = arith.constant 0 : i32
        %dma_wait3A_162 = tpu.memref_slice %arg4[%add3A, %mul3A_156, %dma_wait3A_161] : memref<32x80x128xi32, #tpu.memory_space<hbm>> -> memref<1x8x128xi32, #tpu.memory_space<hbm>>
        %dma_wait3A_163 = tpu.memref_squeeze %dma_wait3A_162 : memref<1x8x128xi32, #tpu.memory_space<hbm>> -> memref<8x128xi32, #tpu.memory_space<hbm>>
        %dma_wait3A_164 = tpu.memref_slice %arg13[%rem3A_154] : memref<3x!tpu.dma_semaphore, #tpu.memory_space<semaphore_mem>> -> memref<1x!tpu.dma_semaphore, #tpu.memory_space<semaphore_mem>>
        %dma_wait3A_165 = tpu.memref_squeeze %dma_wait3A_164 : memref<1x!tpu.dma_semaphore, #tpu.memory_space<semaphore_mem>> -> memref<!tpu.dma_semaphore, #tpu.memory_space<semaphore_mem>>
        %dma_wait3A_166 = arith.constant 0 : i32
        %dma_wait3A_167 = arith.constant 0 : i32
        %dma_wait3A_168 = tpu.memref_slice %arg8[%rem3A_154, %dma_wait3A_166, %dma_wait3A_167] : memref<3x8x128xi32, #tpu.memory_space<vmem>> -> memref<1x8x128xi32, #tpu.memory_space<vmem>>
        %dma_wait3A_169 = tpu.memref_squeeze %dma_wait3A_168 : memref<1x8x128xi32, #tpu.memory_space<vmem>> -> memref<8x128xi32, #tpu.memory_space<vmem>>
        %dma_wait3A_170 = arith.constant 0 : i32
        %dma_wait3A_171 = tpu.memref_slice %arg4[%add3A, %mul3A_156, %dma_wait3A_170] : memref<32x80x128xi32, #tpu.memory_space<hbm>> -> memref<1x8x128xi32, #tpu.memory_space<hbm>>
        %dma_wait3A_172 = tpu.memref_squeeze %dma_wait3A_171 : memref<1x8x128xi32, #tpu.memory_space<hbm>> -> memref<8x128xi32, #tpu.memory_space<hbm>>
        tpu.wait_dma2 semaphore(%dma_wait3A_165 : memref<!tpu.dma_semaphore, #tpu.memory_space<semaphore_mem>>) src(%dma_wait3A_172 : memref<8x128xi32, #tpu.memory_space<hbm>>) dst(%dma_wait3A_169 : memref<8x128xi32, #tpu.memory_space<vmem>>)
      } else {
      }
      %dma_wait3A_109 = arith.constant 0 : i32
      %dma_wait3A_110 = arith.constant 0 : i32
      %dma_wait3A_111 = tpu.memref_slice %arg9[%rem3A_85, %dma_wait3A_109, %dma_wait3A_110] : memref<2x128x128xf32, #tpu.memory_space<vmem>> -> memref<1x128x128xf32, #tpu.memory_space<vmem>>
      %dma_wait3A_112 = tpu.memref_squeeze %dma_wait3A_111 : memref<1x128x128xf32, #tpu.memory_space<vmem>> -> memref<128x128xf32, #tpu.memory_space<vmem>>
      %dma_wait3A_113 = arith.constant 0 : i32
      %dma_wait3A_114 = tpu.memref_slice %arg7[%scan3A_83, %dma_wait3A_113] : memref<80x128xi32, #tpu.memory_space<vmem>> -> memref<1x128xi32, #tpu.memory_space<vmem>>
      %dma_wait3A_115 = tpu.memref_squeeze %dma_wait3A_114 : memref<1x128xi32, #tpu.memory_space<vmem>> -> memref<128xi32, #tpu.memory_space<vmem>>
      %dma_wait3A_116 = arith.constant 0 : i32
      %dma_wait3A_117 = arith.constant 0 : i32
      %dma_wait3A_118 = tpu.memref_slice %arg2[%dma_wait3A_116, %dma_wait3A_117] : memref<10240x128xf32, #tpu.memory_space<hbm>> -> memref<10240x128xf32, #tpu.memory_space<hbm>>
      %dma_wait3A_119 = tpu.memref_slice %arg11[%rem3A_85] : memref<2x!tpu.dma_semaphore, #tpu.memory_space<semaphore_mem>> -> memref<1x!tpu.dma_semaphore, #tpu.memory_space<semaphore_mem>>
      %dma_wait3A_120 = tpu.memref_squeeze %dma_wait3A_119 : memref<1x!tpu.dma_semaphore, #tpu.memory_space<semaphore_mem>> -> memref<!tpu.dma_semaphore, #tpu.memory_space<semaphore_mem>>
      tpu.wait_indirect_dma semaphore(%dma_wait3A_120 : memref<!tpu.dma_semaphore, #tpu.memory_space<semaphore_mem>>) src(%dma_wait3A_118 : memref<10240x128xf32, #tpu.memory_space<hbm>>) dst(%dma_wait3A_112 : memref<128x128xf32, #tpu.memory_space<vmem>>)
      %dma_start3A_121 = arith.constant 0 : i32
      %dma_start3A_122 = arith.constant 0 : i32
      %dma_start3A_123 = tpu.memref_slice %arg9[%rem3A_85, %dma_start3A_121, %dma_start3A_122] : memref<2x128x128xf32, #tpu.memory_space<vmem>> -> memref<1x128x128xf32, #tpu.memory_space<vmem>>
      %dma_start3A_124 = tpu.memref_squeeze %dma_start3A_123 : memref<1x128x128xf32, #tpu.memory_space<vmem>> -> memref<128x128xf32, #tpu.memory_space<vmem>>
      %dma_start3A_125 = arith.constant 0 : i32
      %dma_start3A_126 = tpu.memref_slice %arg8[%rem3A_106, %rem3A_104, %dma_start3A_125] : memref<3x8x128xi32, #tpu.memory_space<vmem>> -> memref<1x1x128xi32, #tpu.memory_space<vmem>>
      %dma_start3A_127 = tpu.memref_squeeze %dma_start3A_126 : memref<1x1x128xi32, #tpu.memory_space<vmem>> -> memref<128xi32, #tpu.memory_space<vmem>>
      %dma_start3A_128 = arith.constant 0 : i32
      %dma_start3A_129 = arith.constant 0 : i32
      %dma_start3A_130 = tpu.memref_slice %arg10[%dma_start3A_128, %dma_start3A_129] : memref<10112x128xf32, #tpu.memory_space<vmem_shared>> -> memref<10112x128xf32, #tpu.memory_space<vmem_shared>>
      %dma_start3A_131 = tpu.memref_slice %arg12[%rem3A_85] : memref<2x!tpu.dma_semaphore, #tpu.memory_space<semaphore_mem>> -> memref<1x!tpu.dma_semaphore, #tpu.memory_space<semaphore_mem>>
      %dma_start3A_132 = tpu.memref_squeeze %dma_start3A_131 : memref<1x!tpu.dma_semaphore, #tpu.memory_space<semaphore_mem>> -> memref<!tpu.dma_semaphore, #tpu.memory_space<semaphore_mem>>
      tpu.enqueue_indirect_dma source(%dma_start3A_124 : memref<128x128xf32, #tpu.memory_space<vmem>>) target(%dma_start3A_130 : memref<10112x128xf32, #tpu.memory_space<vmem_shared>>) offsets(%dma_start3A_127 : memref<128xi32, #tpu.memory_space<vmem>>) semaphore(%dma_start3A_132 : memref<!tpu.dma_semaphore, #tpu.memory_space<semaphore_mem>>) {add = true}
      %ge3A = arith.constant 1 : i32
      %ge3A_133 = arith.cmpi sge, %scan3A_83, %ge3A : i32
      %convert_element_type3A_134 = arith.extui %ge3A_133 : i1 to i32
      %cond3A_135 = arith.constant 0 : i32
      %cond3A_136 = arith.cmpi ne, %convert_element_type3A_134, %cond3A_135 : i32
      scf.if %cond3A_136 {
        %sub3A_153 = arith.constant 1 : i32
        %sub3A_154 = arith.subi %scan3A_83, %sub3A_153 : i32
        %rem3A_155 = arith.constant 2 : i32
        %rem3A_156 = arith.remsi %sub3A_154, %rem3A_155 : i32
        %jit3A_157 = arith.constant 8 : i32
        %div3A_158 = arith.divsi %sub3A_154, %jit3A_157 : i32
        %sign3A_159 = arith.constant 0 : i32
        %sign3A_160 = arith.cmpi sgt, %sub3A_154, %sign3A_159 : i32
        %sign3A_161 = arith.extui %sign3A_160 : i1 to i32
        %sign3A_162 = arith.constant 0 : i32
        %sign3A_163 = arith.cmpi slt, %sub3A_154, %sign3A_162 : i32
        %sign3A_164 = arith.extui %sign3A_163 : i1 to i32
        %sign3A_165 = arith.subi %sign3A_161, %sign3A_164 : i32
        %sign3A_166 = arith.constant 0 : i32
        %sign3A_167 = arith.cmpi sgt, %jit3A_157, %sign3A_166 : i32
        %sign3A_168 = arith.extui %sign3A_167 : i1 to i32
        %sign3A_169 = arith.constant 0 : i32
        %sign3A_170 = arith.cmpi slt, %jit3A_157, %sign3A_169 : i32
        %sign3A_171 = arith.extui %sign3A_170 : i1 to i32
        %sign3A_172 = arith.subi %sign3A_168, %sign3A_171 : i32
        %ne3A_173 = arith.cmpi ne, %sign3A_165, %sign3A_172 : i32
        %rem3A_174 = arith.remsi %sub3A_154, %jit3A_157 : i32
        %ne3A_175 = arith.constant 0 : i32
        %ne3A_176 = arith.cmpi ne, %rem3A_174, %ne3A_175 : i32
        %and3A_177 = arith.andi %ne3A_173, %ne3A_176 : i1
        %sub3A_178 = arith.constant 1 : i32
        %sub3A_179 = arith.subi %div3A_158, %sub3A_178 : i32
        %select_n3A_180 = arith.select %and3A_177, %sub3A_179, %div3A_158 : i32
        %rem3A_181 = arith.constant 3 : i32
        %rem3A_182 = arith.remsi %select_n3A_180, %rem3A_181 : i32
        %rem3A_183 = arith.constant 8 : i32
        %rem3A_184 = arith.remsi %sub3A_154, %rem3A_183 : i32
        %dma_wait3A_185 = arith.constant 0 : i32
        %dma_wait3A_186 = arith.constant 0 : i32
        %dma_wait3A_187 = tpu.memref_slice %arg9[%rem3A_156, %dma_wait3A_185, %dma_wait3A_186] : memref<2x128x128xf32, #tpu.memory_space<vmem>> -> memref<1x128x128xf32, #tpu.memory_space<vmem>>
        %dma_wait3A_188 = tpu.memref_squeeze %dma_wait3A_187 : memref<1x128x128xf32, #tpu.memory_space<vmem>> -> memref<128x128xf32, #tpu.memory_space<vmem>>
        %dma_wait3A_189 = arith.constant 0 : i32
        %dma_wait3A_190 = tpu.memref_slice %arg8[%rem3A_182, %rem3A_184, %dma_wait3A_189] : memref<3x8x128xi32, #tpu.memory_space<vmem>> -> memref<1x1x128xi32, #tpu.memory_space<vmem>>
        %dma_wait3A_191 = tpu.memref_squeeze %dma_wait3A_190 : memref<1x1x128xi32, #tpu.memory_space<vmem>> -> memref<128xi32, #tpu.memory_space<vmem>>
        %dma_wait3A_192 = arith.constant 0 : i32
        %dma_wait3A_193 = arith.constant 0 : i32
        %dma_wait3A_194 = tpu.memref_slice %arg10[%dma_wait3A_192, %dma_wait3A_193] : memref<10112x128xf32, #tpu.memory_space<vmem_shared>> -> memref<10112x128xf32, #tpu.memory_space<vmem_shared>>
        %dma_wait3A_195 = tpu.memref_slice %arg12[%rem3A_156] : memref<2x!tpu.dma_semaphore, #tpu.memory_space<semaphore_mem>> -> memref<1x!tpu.dma_semaphore, #tpu.memory_space<semaphore_mem>>
        %dma_wait3A_196 = tpu.memref_squeeze %dma_wait3A_195 : memref<1x!tpu.dma_semaphore, #tpu.memory_space<semaphore_mem>> -> memref<!tpu.dma_semaphore, #tpu.memory_space<semaphore_mem>>
        tpu.wait_indirect_dma semaphore(%dma_wait3A_196 : memref<!tpu.dma_semaphore, #tpu.memory_space<semaphore_mem>>) src(%dma_wait3A_188 : memref<128x128xf32, #tpu.memory_space<vmem>>) dst(%dma_wait3A_194 : memref<10112x128xf32, #tpu.memory_space<vmem_shared>>)
      } else {
      }
      %eq3A_137 = arith.constant 0 : i32
      %eq3A_138 = arith.cmpi eq, %rem3A_104, %eq3A_137 : i32
      %add3A_139 = arith.constant 2 : i32
      %add3A_140 = arith.addi %select_n3A, %add3A_139 : i32
      %lt3A = arith.constant 10 : i32
      %lt3A_141 = arith.cmpi slt, %add3A_140, %lt3A : i32
      %and3A_142 = arith.andi %eq3A_138, %lt3A_141 : i1
      %convert_element_type3A_143 = arith.extui %and3A_142 : i1 to i32
      %cond3A_144 = arith.constant 0 : i32
      %cond3A_145 = arith.cmpi ne, %convert_element_type3A_143, %cond3A_144 : i32
      scf.if %cond3A_145 {
        %add3A_153 = arith.constant 2 : i32
        %add3A_154 = arith.addi %select_n3A, %add3A_153 : i32
        %rem3A_155 = arith.constant 3 : i32
        %rem3A_156 = arith.remsi %add3A_154, %rem3A_155 : i32
        %mul3A_157 = arith.constant 8 : i32
        %mul3A_158 = arith.muli %add3A_154, %mul3A_157 : i32
        %dma_start3A_159 = arith.constant 0 : i32
        %dma_start3A_160 = arith.constant 0 : i32
        %dma_start3A_161 = tpu.memref_slice %arg8[%rem3A_156, %dma_start3A_159, %dma_start3A_160] : memref<3x8x128xi32, #tpu.memory_space<vmem>> -> memref<1x8x128xi32, #tpu.memory_space<vmem>>
        %dma_start3A_162 = tpu.memref_squeeze %dma_start3A_161 : memref<1x8x128xi32, #tpu.memory_space<vmem>> -> memref<8x128xi32, #tpu.memory_space<vmem>>
        %dma_start3A_163 = arith.constant 0 : i32
        %dma_start3A_164 = tpu.memref_slice %arg4[%add3A, %mul3A_158, %dma_start3A_163] : memref<32x80x128xi32, #tpu.memory_space<hbm>> -> memref<1x8x128xi32, #tpu.memory_space<hbm>>
        %dma_start3A_165 = tpu.memref_squeeze %dma_start3A_164 : memref<1x8x128xi32, #tpu.memory_space<hbm>> -> memref<8x128xi32, #tpu.memory_space<hbm>>
        %dma_start3A_166 = tpu.memref_slice %arg13[%rem3A_156] : memref<3x!tpu.dma_semaphore, #tpu.memory_space<semaphore_mem>> -> memref<1x!tpu.dma_semaphore, #tpu.memory_space<semaphore_mem>>
        %dma_start3A_167 = tpu.memref_squeeze %dma_start3A_166 : memref<1x!tpu.dma_semaphore, #tpu.memory_space<semaphore_mem>> -> memref<!tpu.dma_semaphore, #tpu.memory_space<semaphore_mem>>
        %dma_start3A_168 = arith.constant 0 : i32
        %dma_start3A_169 = arith.constant 0 : i32
        %dma_start3A_170 = tpu.memref_slice %arg8[%rem3A_156, %dma_start3A_168, %dma_start3A_169] : memref<3x8x128xi32, #tpu.memory_space<vmem>> -> memref<1x8x128xi32, #tpu.memory_space<vmem>>
        %dma_start3A_171 = tpu.memref_squeeze %dma_start3A_170 : memref<1x8x128xi32, #tpu.memory_space<vmem>> -> memref<8x128xi32, #tpu.memory_space<vmem>>
        %dma_start3A_172 = arith.constant 0 : i32
        %dma_start3A_173 = tpu.memref_slice %arg4[%add3A, %mul3A_158, %dma_start3A_172] : memref<32x80x128xi32, #tpu.memory_space<hbm>> -> memref<1x8x128xi32, #tpu.memory_space<hbm>>
        %dma_start3A_174 = tpu.memref_squeeze %dma_start3A_173 : memref<1x8x128xi32, #tpu.memory_space<hbm>> -> memref<8x128xi32, #tpu.memory_space<hbm>>
        tpu.enqueue_dma source(%dma_start3A_174 : memref<8x128xi32, #tpu.memory_space<hbm>>) target(%dma_start3A_171 : memref<8x128xi32, #tpu.memory_space<vmem>>) target_semaphore(%dma_start3A_167 : memref<!tpu.dma_semaphore, #tpu.memory_space<semaphore_mem>>)
      } else {
      }
      %add3A_146 = arith.constant 1 : i32
      %add3A_147 = arith.addi %scan3A_83, %add3A_146 : i32
      %lt3A_148 = arith.constant 80 : i32
      %lt3A_149 = arith.cmpi slt, %add3A_147, %lt3A_148 : i32
      %convert_element_type3A_150 = arith.extui %lt3A_149 : i1 to i32
      %cond3A_151 = arith.constant 0 : i32
      %cond3A_152 = arith.cmpi ne, %convert_element_type3A_150, %cond3A_151 : i32
      scf.if %cond3A_152 {
        %add3A_153 = arith.constant 1 : i32
        %add3A_154 = arith.addi %scan3A_83, %add3A_153 : i32
        %add3A_155 = arith.constant 1 : i32
        %add3A_156 = arith.addi %scan3A_83, %add3A_155 : i32
        %rem3A_157 = arith.constant 2 : i32
        %rem3A_158 = arith.remsi %add3A_156, %rem3A_157 : i32
        %dma_start3A_159 = arith.constant 0 : i32
        %dma_start3A_160 = arith.constant 0 : i32
        %dma_start3A_161 = tpu.memref_slice %arg9[%rem3A_158, %dma_start3A_159, %dma_start3A_160] : memref<2x128x128xf32, #tpu.memory_space<vmem>> -> memref<1x128x128xf32, #tpu.memory_space<vmem>>
        %dma_start3A_162 = tpu.memref_squeeze %dma_start3A_161 : memref<1x128x128xf32, #tpu.memory_space<vmem>> -> memref<128x128xf32, #tpu.memory_space<vmem>>
        %dma_start3A_163 = arith.constant 0 : i32
        %dma_start3A_164 = tpu.memref_slice %arg7[%add3A_154, %dma_start3A_163] : memref<80x128xi32, #tpu.memory_space<vmem>> -> memref<1x128xi32, #tpu.memory_space<vmem>>
        %dma_start3A_165 = tpu.memref_squeeze %dma_start3A_164 : memref<1x128xi32, #tpu.memory_space<vmem>> -> memref<128xi32, #tpu.memory_space<vmem>>
        %dma_start3A_166 = arith.constant 0 : i32
        %dma_start3A_167 = arith.constant 0 : i32
        %dma_start3A_168 = tpu.memref_slice %arg2[%dma_start3A_166, %dma_start3A_167] : memref<10240x128xf32, #tpu.memory_space<hbm>> -> memref<10240x128xf32, #tpu.memory_space<hbm>>
        %dma_start3A_169 = tpu.memref_slice %arg11[%rem3A_158] : memref<2x!tpu.dma_semaphore, #tpu.memory_space<semaphore_mem>> -> memref<1x!tpu.dma_semaphore, #tpu.memory_space<semaphore_mem>>
        %dma_start3A_170 = tpu.memref_squeeze %dma_start3A_169 : memref<1x!tpu.dma_semaphore, #tpu.memory_space<semaphore_mem>> -> memref<!tpu.dma_semaphore, #tpu.memory_space<semaphore_mem>>
        tpu.enqueue_indirect_dma source(%dma_start3A_168 : memref<10240x128xf32, #tpu.memory_space<hbm>>) target(%dma_start3A_162 : memref<128x128xf32, #tpu.memory_space<vmem>>) offsets(%dma_start3A_165 : memref<128xi32, #tpu.memory_space<vmem>>) semaphore(%dma_start3A_170 : memref<!tpu.dma_semaphore, #tpu.memory_space<semaphore_mem>>)
      } else {
      }
    }
    %scan3A_62 = arith.constant 80 : i32
    %dma_wait3A = arith.constant 1 : i32
    %dma_wait3A_63 = arith.constant 0 : i32
    %dma_wait3A_64 = arith.constant 7 : i32
    %dma_wait3A_65 = arith.constant 1 : i32
    %dma_wait3A_66 = arith.constant 0 : i32
    %dma_wait3A_67 = arith.constant 0 : i32
    %dma_wait3A_68 = tpu.memref_slice %arg9[%dma_wait3A, %dma_wait3A_66, %dma_wait3A_67] : memref<2x128x128xf32, #tpu.memory_space<vmem>> -> memref<1x128x128xf32, #tpu.memory_space<vmem>>
    %dma_wait3A_69 = tpu.memref_squeeze %dma_wait3A_68 : memref<1x128x128xf32, #tpu.memory_space<vmem>> -> memref<128x128xf32, #tpu.memory_space<vmem>>
    %dma_wait3A_70 = arith.constant 0 : i32
    %dma_wait3A_71 = tpu.memref_slice %arg8[%dma_wait3A_63, %dma_wait3A_64, %dma_wait3A_70] : memref<3x8x128xi32, #tpu.memory_space<vmem>> -> memref<1x1x128xi32, #tpu.memory_space<vmem>>
    %dma_wait3A_72 = tpu.memref_squeeze %dma_wait3A_71 : memref<1x1x128xi32, #tpu.memory_space<vmem>> -> memref<128xi32, #tpu.memory_space<vmem>>
    %dma_wait3A_73 = arith.constant 0 : i32
    %dma_wait3A_74 = arith.constant 0 : i32
    %dma_wait3A_75 = tpu.memref_slice %arg10[%dma_wait3A_73, %dma_wait3A_74] : memref<10112x128xf32, #tpu.memory_space<vmem_shared>> -> memref<10112x128xf32, #tpu.memory_space<vmem_shared>>
    %dma_wait3A_76 = tpu.memref_slice %arg12[%dma_wait3A_65] : memref<2x!tpu.dma_semaphore, #tpu.memory_space<semaphore_mem>> -> memref<1x!tpu.dma_semaphore, #tpu.memory_space<semaphore_mem>>
    %dma_wait3A_77 = tpu.memref_squeeze %dma_wait3A_76 : memref<1x!tpu.dma_semaphore, #tpu.memory_space<semaphore_mem>> -> memref<!tpu.dma_semaphore, #tpu.memory_space<semaphore_mem>>
    tpu.wait_indirect_dma semaphore(%dma_wait3A_77 : memref<!tpu.dma_semaphore, #tpu.memory_space<semaphore_mem>>) src(%dma_wait3A_69 : memref<128x128xf32, #tpu.memory_space<vmem>>) dst(%dma_wait3A_75 : memref<10112x128xf32, #tpu.memory_space<vmem_shared>>)
    %barrier3A_78 = arith.constant 0 : index
    tpu.barrier barrier_id(%barrier3A_78)
    %mul3A_79 = arith.constant 632 : i32
    %mul3A_80 = arith.muli %arg1, %mul3A_79 : i32
    %mul3A_81 = arith.constant 632 : i32
    %mul3A_82 = arith.muli %arg1, %mul3A_81 : i32
    "tpu.region"() ({
      %run_scoped3A = tpu.sem_alloc : memref<!tpu.dma_semaphore, #tpu.memory_space<semaphore_mem>>
      %dma_start3A_83 = arith.constant 0 : i32
      %dma_start3A_84 = tpu.memref_slice %arg6[%arg0, %mul3A_82, %dma_start3A_83] : memref<2x10240x128xf32, #tpu.memory_space<hbm>> -> memref<1x632x128xf32, #tpu.memory_space<hbm>>
      %dma_start3A_85 = tpu.memref_squeeze %dma_start3A_84 : memref<1x632x128xf32, #tpu.memory_space<hbm>> -> memref<632x128xf32, #tpu.memory_space<hbm>>
      %dma_start3A_86 = arith.constant 0 : i32
      %dma_start3A_87 = tpu.memref_slice %arg10[%mul3A_80, %dma_start3A_86] : memref<10112x128xf32, #tpu.memory_space<vmem_shared>> -> memref<632x128xf32, #tpu.memory_space<vmem_shared>>
      tpu.enqueue_dma source(%dma_start3A_87 : memref<632x128xf32, #tpu.memory_space<vmem_shared>>) target(%dma_start3A_85 : memref<632x128xf32, #tpu.memory_space<hbm>>) target_semaphore(%run_scoped3A : memref<!tpu.dma_semaphore, #tpu.memory_space<semaphore_mem>>)
      %dma_wait3A_88 = arith.constant 0 : i32
      %dma_wait3A_89 = tpu.memref_slice %arg6[%arg0, %mul3A_82, %dma_wait3A_88] : memref<2x10240x128xf32, #tpu.memory_space<hbm>> -> memref<1x632x128xf32, #tpu.memory_space<hbm>>
      %dma_wait3A_90 = tpu.memref_squeeze %dma_wait3A_89 : memref<1x632x128xf32, #tpu.memory_space<hbm>> -> memref<632x128xf32, #tpu.memory_space<hbm>>
      %dma_wait3A_91 = arith.constant 0 : i32
      %dma_wait3A_92 = tpu.memref_slice %arg10[%mul3A_80, %dma_wait3A_91] : memref<10112x128xf32, #tpu.memory_space<vmem_shared>> -> memref<632x128xf32, #tpu.memory_space<vmem_shared>>
      tpu.wait_dma2 semaphore(%run_scoped3A : memref<!tpu.dma_semaphore, #tpu.memory_space<semaphore_mem>>) src(%dma_wait3A_92 : memref<632x128xf32, #tpu.memory_space<vmem_shared>>) dst(%dma_wait3A_90 : memref<632x128xf32, #tpu.memory_space<hbm>>)
      tpu.yield
    }) : () -> ()
    return
  }
}

#map = affine_map<(d0, d1) -> (0, 0)>
#map1 = affine_map<(d0, d1) -> (0, 0, 0)>
module attributes {stable_mosaic.version = 14 : i64} {
  func.func @sc_agg(%arg0: i32, %arg1: i32, %arg2: memref<10240x128xf32, #tpu.memory_space<hbm>>, %arg3: memref<32x80x128xi32, #tpu.memory_space<hbm>>, %arg4: memref<32x80x128xi32, #tpu.memory_space<hbm>>, %arg5: memref<632x128xf32, #tpu.memory_space<hbm>>, %arg6: memref<2x10240x128xf32, #tpu.memory_space<hbm>>, %arg7: memref<80x128xi32, #tpu.memory_space<vmem>>, %arg8: memref<3x8x128xi32, #tpu.memory_space<vmem>>, %arg9: memref<2x128x128xf32, #tpu.memory_space<vmem>>, %arg10: memref<10112x128xf32, #tpu.memory_space<vmem_shared>>, %arg11: memref<2x!tpu.dma_semaphore, #tpu.memory_space<semaphore_mem>>, %arg12: memref<2x!tpu.dma_semaphore, #tpu.memory_space<semaphore_mem>>, %arg13: memref<3x!tpu.dma_semaphore, #tpu.memory_space<semaphore_mem>>) attributes {dimension_semantics = [#tpu.dimension_semantics<core_parallel>, #tpu.dimension_semantics<subcore_parallel>], iteration_bounds = array<i64: 2, 16>, scalar_prefetch = 0 : i64, scratch_operands = 7 : i64, tpu.core_type = #tpu.core_type<sc_vector_subcore>, window_params = [{transform_indices = #map}, {transform_indices = #map1}, {transform_indices = #map1}, {transform_indices = #map}, {transform_indices = #map1}]} {
    %mul3A = arith.constant 2 : i32
    %mul3A_0 = arith.muli %arg1, %mul3A : i32
    %add3A = arith.addi %mul3A_0, %arg0 : i32
    %mul3A_1 = arith.constant 632 : i32
    %mul3A_2 = arith.muli %arg1, %mul3A_1 : i32
    "tpu.region"() ({
      %run_scoped3A = tpu.sem_alloc : memref<!tpu.dma_semaphore, #tpu.memory_space<semaphore_mem>>
      %dma_start3A_83 = arith.constant 0 : i32
      %dma_start3A_84 = tpu.memref_slice %arg10[%mul3A_2, %dma_start3A_83] : memref<10112x128xf32, #tpu.memory_space<vmem_shared>> -> memref<632x128xf32, #tpu.memory_space<vmem_shared>>
      tpu.enqueue_dma source(%arg5 : memref<632x128xf32, #tpu.memory_space<hbm>>) target(%dma_start3A_84 : memref<632x128xf32, #tpu.memory_space<vmem_shared>>) target_semaphore(%run_scoped3A : memref<!tpu.dma_semaphore, #tpu.memory_space<semaphore_mem>>)
      %dma_wait3A_85 = arith.constant 0 : i32
      %dma_wait3A_86 = tpu.memref_slice %arg10[%mul3A_2, %dma_wait3A_85] : memref<10112x128xf32, #tpu.memory_space<vmem_shared>> -> memref<632x128xf32, #tpu.memory_space<vmem_shared>>
      tpu.wait_dma2 semaphore(%run_scoped3A : memref<!tpu.dma_semaphore, #tpu.memory_space<semaphore_mem>>) src(%arg5 : memref<632x128xf32, #tpu.memory_space<hbm>>) dst(%dma_wait3A_86 : memref<632x128xf32, #tpu.memory_space<vmem_shared>>)
      tpu.yield
    }) : () -> ()
    "tpu.region"() ({
      %run_scoped3A = tpu.sem_alloc : memref<!tpu.dma_semaphore, #tpu.memory_space<semaphore_mem>>
      %dma_start3A_83 = arith.constant 0 : i32
      %dma_start3A_84 = arith.constant 0 : i32
      %dma_start3A_85 = tpu.memref_slice %arg3[%add3A, %dma_start3A_83, %dma_start3A_84] : memref<32x80x128xi32, #tpu.memory_space<hbm>> -> memref<1x80x128xi32, #tpu.memory_space<hbm>>
      %dma_start3A_86 = tpu.memref_squeeze %dma_start3A_85 : memref<1x80x128xi32, #tpu.memory_space<hbm>> -> memref<80x128xi32, #tpu.memory_space<hbm>>
      %dma_start3A_87 = arith.constant 0 : i32
      %dma_start3A_88 = arith.constant 0 : i32
      %dma_start3A_89 = tpu.memref_slice %arg3[%add3A, %dma_start3A_87, %dma_start3A_88] : memref<32x80x128xi32, #tpu.memory_space<hbm>> -> memref<1x80x128xi32, #tpu.memory_space<hbm>>
      %dma_start3A_90 = tpu.memref_squeeze %dma_start3A_89 : memref<1x80x128xi32, #tpu.memory_space<hbm>> -> memref<80x128xi32, #tpu.memory_space<hbm>>
      tpu.enqueue_dma source(%dma_start3A_90 : memref<80x128xi32, #tpu.memory_space<hbm>>) target(%arg7 : memref<80x128xi32, #tpu.memory_space<vmem>>) target_semaphore(%run_scoped3A : memref<!tpu.dma_semaphore, #tpu.memory_space<semaphore_mem>>)
      %dma_wait3A_91 = arith.constant 0 : i32
      %dma_wait3A_92 = arith.constant 0 : i32
      %dma_wait3A_93 = tpu.memref_slice %arg3[%add3A, %dma_wait3A_91, %dma_wait3A_92] : memref<32x80x128xi32, #tpu.memory_space<hbm>> -> memref<1x80x128xi32, #tpu.memory_space<hbm>>
      %dma_wait3A_94 = tpu.memref_squeeze %dma_wait3A_93 : memref<1x80x128xi32, #tpu.memory_space<hbm>> -> memref<80x128xi32, #tpu.memory_space<hbm>>
      %dma_wait3A_95 = arith.constant 0 : i32
      %dma_wait3A_96 = arith.constant 0 : i32
      %dma_wait3A_97 = tpu.memref_slice %arg3[%add3A, %dma_wait3A_95, %dma_wait3A_96] : memref<32x80x128xi32, #tpu.memory_space<hbm>> -> memref<1x80x128xi32, #tpu.memory_space<hbm>>
      %dma_wait3A_98 = tpu.memref_squeeze %dma_wait3A_97 : memref<1x80x128xi32, #tpu.memory_space<hbm>> -> memref<80x128xi32, #tpu.memory_space<hbm>>
      tpu.wait_dma2 semaphore(%run_scoped3A : memref<!tpu.dma_semaphore, #tpu.memory_space<semaphore_mem>>) src(%dma_wait3A_98 : memref<80x128xi32, #tpu.memory_space<hbm>>) dst(%arg7 : memref<80x128xi32, #tpu.memory_space<vmem>>)
      tpu.yield
    }) : () -> ()
    %rem3A = arith.constant 0 : i32
    %rem3A_3 = arith.constant 3 : i32
    %rem3A_4 = arith.remsi %rem3A, %rem3A_3 : i32
    %dma_start3A = arith.constant 0 : i32
    %dma_start3A_5 = arith.constant 0 : i32
    %dma_start3A_6 = tpu.memref_slice %arg8[%rem3A_4, %dma_start3A, %dma_start3A_5] : memref<3x8x128xi32, #tpu.memory_space<vmem>> -> memref<1x8x128xi32, #tpu.memory_space<vmem>>
    %dma_start3A_7 = tpu.memref_squeeze %dma_start3A_6 : memref<1x8x128xi32, #tpu.memory_space<vmem>> -> memref<8x128xi32, #tpu.memory_space<vmem>>
    %dma_start3A_8 = arith.constant 0 : i32
    %dma_start3A_9 = arith.constant 0 : i32
    %dma_start3A_10 = tpu.memref_slice %arg4[%add3A, %dma_start3A_8, %dma_start3A_9] : memref<32x80x128xi32, #tpu.memory_space<hbm>> -> memref<1x8x128xi32, #tpu.memory_space<hbm>>
    %dma_start3A_11 = tpu.memref_squeeze %dma_start3A_10 : memref<1x8x128xi32, #tpu.memory_space<hbm>> -> memref<8x128xi32, #tpu.memory_space<hbm>>
    %dma_start3A_12 = tpu.memref_slice %arg13[%rem3A_4] : memref<3x!tpu.dma_semaphore, #tpu.memory_space<semaphore_mem>> -> memref<1x!tpu.dma_semaphore, #tpu.memory_space<semaphore_mem>>
    %dma_start3A_13 = tpu.memref_squeeze %dma_start3A_12 : memref<1x!tpu.dma_semaphore, #tpu.memory_space<semaphore_mem>> -> memref<!tpu.dma_semaphore, #tpu.memory_space<semaphore_mem>>
    %dma_start3A_14 = arith.constant 0 : i32
    %dma_start3A_15 = arith.constant 0 : i32
    %dma_start3A_16 = tpu.memref_slice %arg8[%rem3A_4, %dma_start3A_14, %dma_start3A_15] : memref<3x8x128xi32, #tpu.memory_space<vmem>> -> memref<1x8x128xi32, #tpu.memory_space<vmem>>
    %dma_start3A_17 = tpu.memref_squeeze %dma_start3A_16 : memref<1x8x128xi32, #tpu.memory_space<vmem>> -> memref<8x128xi32, #tpu.memory_space<vmem>>
    %dma_start3A_18 = arith.constant 0 : i32
    %dma_start3A_19 = arith.constant 0 : i32
    %dma_start3A_20 = tpu.memref_slice %arg4[%add3A, %dma_start3A_18, %dma_start3A_19] : memref<32x80x128xi32, #tpu.memory_space<hbm>> -> memref<1x8x128xi32, #tpu.memory_space<hbm>>
    %dma_start3A_21 = tpu.memref_squeeze %dma_start3A_20 : memref<1x8x128xi32, #tpu.memory_space<hbm>> -> memref<8x128xi32, #tpu.memory_space<hbm>>
    tpu.enqueue_dma source(%dma_start3A_21 : memref<8x128xi32, #tpu.memory_space<hbm>>) target(%dma_start3A_17 : memref<8x128xi32, #tpu.memory_space<vmem>>) target_semaphore(%dma_start3A_13 : memref<!tpu.dma_semaphore, #tpu.memory_space<semaphore_mem>>)
    %rem3A_22 = arith.constant 1 : i32
    %rem3A_23 = arith.constant 3 : i32
    %rem3A_24 = arith.remsi %rem3A_22, %rem3A_23 : i32
    %dma_start3A_25 = arith.constant 0 : i32
    %dma_start3A_26 = arith.constant 0 : i32
    %dma_start3A_27 = tpu.memref_slice %arg8[%rem3A_24, %dma_start3A_25, %dma_start3A_26] : memref<3x8x128xi32, #tpu.memory_space<vmem>> -> memref<1x8x128xi32, #tpu.memory_space<vmem>>
    %dma_start3A_28 = tpu.memref_squeeze %dma_start3A_27 : memref<1x8x128xi32, #tpu.memory_space<vmem>> -> memref<8x128xi32, #tpu.memory_space<vmem>>
    %dma_start3A_29 = arith.constant 8 : i32
    %dma_start3A_30 = arith.constant 0 : i32
    %dma_start3A_31 = tpu.memref_slice %arg4[%add3A, %dma_start3A_29, %dma_start3A_30] : memref<32x80x128xi32, #tpu.memory_space<hbm>> -> memref<1x8x128xi32, #tpu.memory_space<hbm>>
    %dma_start3A_32 = tpu.memref_squeeze %dma_start3A_31 : memref<1x8x128xi32, #tpu.memory_space<hbm>> -> memref<8x128xi32, #tpu.memory_space<hbm>>
    %dma_start3A_33 = tpu.memref_slice %arg13[%rem3A_24] : memref<3x!tpu.dma_semaphore, #tpu.memory_space<semaphore_mem>> -> memref<1x!tpu.dma_semaphore, #tpu.memory_space<semaphore_mem>>
    %dma_start3A_34 = tpu.memref_squeeze %dma_start3A_33 : memref<1x!tpu.dma_semaphore, #tpu.memory_space<semaphore_mem>> -> memref<!tpu.dma_semaphore, #tpu.memory_space<semaphore_mem>>
    %dma_start3A_35 = arith.constant 0 : i32
    %dma_start3A_36 = arith.constant 0 : i32
    %dma_start3A_37 = tpu.memref_slice %arg8[%rem3A_24, %dma_start3A_35, %dma_start3A_36] : memref<3x8x128xi32, #tpu.memory_space<vmem>> -> memref<1x8x128xi32, #tpu.memory_space<vmem>>
    %dma_start3A_38 = tpu.memref_squeeze %dma_start3A_37 : memref<1x8x128xi32, #tpu.memory_space<vmem>> -> memref<8x128xi32, #tpu.memory_space<vmem>>
    %dma_start3A_39 = arith.constant 8 : i32
    %dma_start3A_40 = arith.constant 0 : i32
    %dma_start3A_41 = tpu.memref_slice %arg4[%add3A, %dma_start3A_39, %dma_start3A_40] : memref<32x80x128xi32, #tpu.memory_space<hbm>> -> memref<1x8x128xi32, #tpu.memory_space<hbm>>
    %dma_start3A_42 = tpu.memref_squeeze %dma_start3A_41 : memref<1x8x128xi32, #tpu.memory_space<hbm>> -> memref<8x128xi32, #tpu.memory_space<hbm>>
    tpu.enqueue_dma source(%dma_start3A_42 : memref<8x128xi32, #tpu.memory_space<hbm>>) target(%dma_start3A_38 : memref<8x128xi32, #tpu.memory_space<vmem>>) target_semaphore(%dma_start3A_34 : memref<!tpu.dma_semaphore, #tpu.memory_space<semaphore_mem>>)
    %barrier3A = arith.constant 0 : index
    tpu.barrier barrier_id(%barrier3A)
    %dma_start3A_43 = arith.constant 0 : i32
    %dma_start3A_44 = arith.constant 0 : i32
    %dma_start3A_45 = arith.constant 0 : i32
    %dma_start3A_46 = arith.constant 0 : i32
    %dma_start3A_47 = arith.constant 0 : i32
    %dma_start3A_48 = tpu.memref_slice %arg9[%dma_start3A_44, %dma_start3A_46, %dma_start3A_47] : memref<2x128x128xf32, #tpu.memory_space<vmem>> -> memref<1x128x128xf32, #tpu.memory_space<vmem>>
    %dma_start3A_49 = tpu.memref_squeeze %dma_start3A_48 : memref<1x128x128xf32, #tpu.memory_space<vmem>> -> memref<128x128xf32, #tpu.memory_space<vmem>>
    %dma_start3A_50 = arith.constant 0 : i32
    %dma_start3A_51 = tpu.memref_slice %arg7[%dma_start3A_43, %dma_start3A_50] : memref<80x128xi32, #tpu.memory_space<vmem>> -> memref<1x128xi32, #tpu.memory_space<vmem>>
    %dma_start3A_52 = tpu.memref_squeeze %dma_start3A_51 : memref<1x128xi32, #tpu.memory_space<vmem>> -> memref<128xi32, #tpu.memory_space<vmem>>
    %dma_start3A_53 = arith.constant 0 : i32
    %dma_start3A_54 = arith.constant 0 : i32
    %dma_start3A_55 = tpu.memref_slice %arg2[%dma_start3A_53, %dma_start3A_54] : memref<10240x128xf32, #tpu.memory_space<hbm>> -> memref<10240x128xf32, #tpu.memory_space<hbm>>
    %dma_start3A_56 = tpu.memref_slice %arg11[%dma_start3A_45] : memref<2x!tpu.dma_semaphore, #tpu.memory_space<semaphore_mem>> -> memref<1x!tpu.dma_semaphore, #tpu.memory_space<semaphore_mem>>
    %dma_start3A_57 = tpu.memref_squeeze %dma_start3A_56 : memref<1x!tpu.dma_semaphore, #tpu.memory_space<semaphore_mem>> -> memref<!tpu.dma_semaphore, #tpu.memory_space<semaphore_mem>>
    tpu.enqueue_indirect_dma source(%dma_start3A_55 : memref<10240x128xf32, #tpu.memory_space<hbm>>) target(%dma_start3A_49 : memref<128x128xf32, #tpu.memory_space<vmem>>) offsets(%dma_start3A_52 : memref<128xi32, #tpu.memory_space<vmem>>) semaphore(%dma_start3A_57 : memref<!tpu.dma_semaphore, #tpu.memory_space<semaphore_mem>>)
    %scan3A = arith.constant 0 : i32
    %scan3A_58 = arith.constant 0 : i32
    %scan3A_59 = arith.constant 80 : i32
    %scan3A_60 = arith.addi %scan3A_58, %scan3A_59 : i32
    %scan3A_61 = arith.constant 1 : i32
    scf.for %scan3A_83 = %scan3A_58 to %scan3A_60 step %scan3A_61  : i32 {
      %rem3A_84 = arith.constant 2 : i32
      %rem3A_85 = arith.remsi %scan3A_83, %rem3A_84 : i32
      %jit3A = arith.constant 8 : i32
      %div3A = arith.divsi %scan3A_83, %jit3A : i32
      %sign3A = arith.constant 0 : i32
      %sign3A_86 = arith.cmpi sgt, %scan3A_83, %sign3A : i32
      %sign3A_87 = arith.extui %sign3A_86 : i1 to i32
      %sign3A_88 = arith.constant 0 : i32
      %sign3A_89 = arith.cmpi slt, %scan3A_83, %sign3A_88 : i32
      %sign3A_90 = arith.extui %sign3A_89 : i1 to i32
      %sign3A_91 = arith.subi %sign3A_87, %sign3A_90 : i32
      %sign3A_92 = arith.constant 0 : i32
      %sign3A_93 = arith.cmpi sgt, %jit3A, %sign3A_92 : i32
      %sign3A_94 = arith.extui %sign3A_93 : i1 to i32
      %sign3A_95 = arith.constant 0 : i32
      %sign3A_96 = arith.cmpi slt, %jit3A, %sign3A_95 : i32
      %sign3A_97 = arith.extui %sign3A_96 : i1 to i32
      %sign3A_98 = arith.subi %sign3A_94, %sign3A_97 : i32
      %ne3A = arith.cmpi ne, %sign3A_91, %sign3A_98 : i32
      %rem3A_99 = arith.remsi %scan3A_83, %jit3A : i32
      %ne3A_100 = arith.constant 0 : i32
      %ne3A_101 = arith.cmpi ne, %rem3A_99, %ne3A_100 : i32
      %and3A = arith.andi %ne3A, %ne3A_101 : i1
      %sub3A = arith.constant 1 : i32
      %sub3A_102 = arith.subi %div3A, %sub3A : i32
      %select_n3A = arith.select %and3A, %sub3A_102, %div3A : i32
      %rem3A_103 = arith.constant 8 : i32
      %rem3A_104 = arith.remsi %scan3A_83, %rem3A_103 : i32
      %rem3A_105 = arith.constant 3 : i32
      %rem3A_106 = arith.remsi %select_n3A, %rem3A_105 : i32
      %eq3A = arith.constant 0 : i32
      %eq3A_107 = arith.cmpi eq, %rem3A_104, %eq3A : i32
      %convert_element_type3A = arith.extui %eq3A_107 : i1 to i32
      %cond3A = arith.constant 0 : i32
      %cond3A_108 = arith.cmpi ne, %convert_element_type3A, %cond3A : i32
      scf.if %cond3A_108 {
        %rem3A_153 = arith.constant 3 : i32
        %rem3A_154 = arith.remsi %select_n3A, %rem3A_153 : i32
        %mul3A_155 = arith.constant 8 : i32
        %mul3A_156 = arith.muli %select_n3A, %mul3A_155 : i32
        %dma_wait3A_157 = arith.constant 0 : i32
        %dma_wait3A_158 = arith.constant 0 : i32
        %dma_wait3A_159 = tpu.memref_slice %arg8[%rem3A_154, %dma_wait3A_157, %dma_wait3A_158] : memref<3x8x128xi32, #tpu.memory_space<vmem>> -> memref<1x8x128xi32, #tpu.memory_space<vmem>>
        %dma_wait3A_160 = tpu.memref_squeeze %dma_wait3A_159 : memref<1x8x128xi32, #tpu.memory_space<vmem>> -> memref<8x128xi32, #tpu.memory_space<vmem>>
        %dma_wait3A_161 = arith.constant 0 : i32
        %dma_wait3A_162 = tpu.memref_slice %arg4[%add3A, %mul3A_156, %dma_wait3A_161] : memref<32x80x128xi32, #tpu.memory_space<hbm>> -> memref<1x8x128xi32, #tpu.memory_space<hbm>>
        %dma_wait3A_163 = tpu.memref_squeeze %dma_wait3A_162 : memref<1x8x128xi32, #tpu.memory_space<hbm>> -> memref<8x128xi32, #tpu.memory_space<hbm>>
        %dma_wait3A_164 = tpu.memref_slice %arg13[%rem3A_154] : memref<3x!tpu.dma_semaphore, #tpu.memory_space<semaphore_mem>> -> memref<1x!tpu.dma_semaphore, #tpu.memory_space<semaphore_mem>>
        %dma_wait3A_165 = tpu.memref_squeeze %dma_wait3A_164 : memref<1x!tpu.dma_semaphore, #tpu.memory_space<semaphore_mem>> -> memref<!tpu.dma_semaphore, #tpu.memory_space<semaphore_mem>>
        %dma_wait3A_166 = arith.constant 0 : i32
        %dma_wait3A_167 = arith.constant 0 : i32
        %dma_wait3A_168 = tpu.memref_slice %arg8[%rem3A_154, %dma_wait3A_166, %dma_wait3A_167] : memref<3x8x128xi32, #tpu.memory_space<vmem>> -> memref<1x8x128xi32, #tpu.memory_space<vmem>>
        %dma_wait3A_169 = tpu.memref_squeeze %dma_wait3A_168 : memref<1x8x128xi32, #tpu.memory_space<vmem>> -> memref<8x128xi32, #tpu.memory_space<vmem>>
        %dma_wait3A_170 = arith.constant 0 : i32
        %dma_wait3A_171 = tpu.memref_slice %arg4[%add3A, %mul3A_156, %dma_wait3A_170] : memref<32x80x128xi32, #tpu.memory_space<hbm>> -> memref<1x8x128xi32, #tpu.memory_space<hbm>>
        %dma_wait3A_172 = tpu.memref_squeeze %dma_wait3A_171 : memref<1x8x128xi32, #tpu.memory_space<hbm>> -> memref<8x128xi32, #tpu.memory_space<hbm>>
        tpu.wait_dma2 semaphore(%dma_wait3A_165 : memref<!tpu.dma_semaphore, #tpu.memory_space<semaphore_mem>>) src(%dma_wait3A_172 : memref<8x128xi32, #tpu.memory_space<hbm>>) dst(%dma_wait3A_169 : memref<8x128xi32, #tpu.memory_space<vmem>>)
      } else {
      }
      %dma_wait3A_109 = arith.constant 0 : i32
      %dma_wait3A_110 = arith.constant 0 : i32
      %dma_wait3A_111 = tpu.memref_slice %arg9[%rem3A_85, %dma_wait3A_109, %dma_wait3A_110] : memref<2x128x128xf32, #tpu.memory_space<vmem>> -> memref<1x128x128xf32, #tpu.memory_space<vmem>>
      %dma_wait3A_112 = tpu.memref_squeeze %dma_wait3A_111 : memref<1x128x128xf32, #tpu.memory_space<vmem>> -> memref<128x128xf32, #tpu.memory_space<vmem>>
      %dma_wait3A_113 = arith.constant 0 : i32
      %dma_wait3A_114 = tpu.memref_slice %arg7[%scan3A_83, %dma_wait3A_113] : memref<80x128xi32, #tpu.memory_space<vmem>> -> memref<1x128xi32, #tpu.memory_space<vmem>>
      %dma_wait3A_115 = tpu.memref_squeeze %dma_wait3A_114 : memref<1x128xi32, #tpu.memory_space<vmem>> -> memref<128xi32, #tpu.memory_space<vmem>>
      %dma_wait3A_116 = arith.constant 0 : i32
      %dma_wait3A_117 = arith.constant 0 : i32
      %dma_wait3A_118 = tpu.memref_slice %arg2[%dma_wait3A_116, %dma_wait3A_117] : memref<10240x128xf32, #tpu.memory_space<hbm>> -> memref<10240x128xf32, #tpu.memory_space<hbm>>
      %dma_wait3A_119 = tpu.memref_slice %arg11[%rem3A_85] : memref<2x!tpu.dma_semaphore, #tpu.memory_space<semaphore_mem>> -> memref<1x!tpu.dma_semaphore, #tpu.memory_space<semaphore_mem>>
      %dma_wait3A_120 = tpu.memref_squeeze %dma_wait3A_119 : memref<1x!tpu.dma_semaphore, #tpu.memory_space<semaphore_mem>> -> memref<!tpu.dma_semaphore, #tpu.memory_space<semaphore_mem>>
      tpu.wait_indirect_dma semaphore(%dma_wait3A_120 : memref<!tpu.dma_semaphore, #tpu.memory_space<semaphore_mem>>) src(%dma_wait3A_118 : memref<10240x128xf32, #tpu.memory_space<hbm>>) dst(%dma_wait3A_112 : memref<128x128xf32, #tpu.memory_space<vmem>>)
      %dma_start3A_121 = arith.constant 0 : i32
      %dma_start3A_122 = arith.constant 0 : i32
      %dma_start3A_123 = tpu.memref_slice %arg9[%rem3A_85, %dma_start3A_121, %dma_start3A_122] : memref<2x128x128xf32, #tpu.memory_space<vmem>> -> memref<1x128x128xf32, #tpu.memory_space<vmem>>
      %dma_start3A_124 = tpu.memref_squeeze %dma_start3A_123 : memref<1x128x128xf32, #tpu.memory_space<vmem>> -> memref<128x128xf32, #tpu.memory_space<vmem>>
      %dma_start3A_125 = arith.constant 0 : i32
      %dma_start3A_126 = tpu.memref_slice %arg8[%rem3A_106, %rem3A_104, %dma_start3A_125] : memref<3x8x128xi32, #tpu.memory_space<vmem>> -> memref<1x1x128xi32, #tpu.memory_space<vmem>>
      %dma_start3A_127 = tpu.memref_squeeze %dma_start3A_126 : memref<1x1x128xi32, #tpu.memory_space<vmem>> -> memref<128xi32, #tpu.memory_space<vmem>>
      %dma_start3A_128 = arith.constant 0 : i32
      %dma_start3A_129 = arith.constant 0 : i32
      %dma_start3A_130 = tpu.memref_slice %arg10[%dma_start3A_128, %dma_start3A_129] : memref<10112x128xf32, #tpu.memory_space<vmem_shared>> -> memref<10112x128xf32, #tpu.memory_space<vmem_shared>>
      %dma_start3A_131 = tpu.memref_slice %arg12[%rem3A_85] : memref<2x!tpu.dma_semaphore, #tpu.memory_space<semaphore_mem>> -> memref<1x!tpu.dma_semaphore, #tpu.memory_space<semaphore_mem>>
      %dma_start3A_132 = tpu.memref_squeeze %dma_start3A_131 : memref<1x!tpu.dma_semaphore, #tpu.memory_space<semaphore_mem>> -> memref<!tpu.dma_semaphore, #tpu.memory_space<semaphore_mem>>
      tpu.enqueue_indirect_dma source(%dma_start3A_124 : memref<128x128xf32, #tpu.memory_space<vmem>>) target(%dma_start3A_130 : memref<10112x128xf32, #tpu.memory_space<vmem_shared>>) offsets(%dma_start3A_127 : memref<128xi32, #tpu.memory_space<vmem>>) semaphore(%dma_start3A_132 : memref<!tpu.dma_semaphore, #tpu.memory_space<semaphore_mem>>) {add = true}
      %ge3A = arith.constant 1 : i32
      %ge3A_133 = arith.cmpi sge, %scan3A_83, %ge3A : i32
      %convert_element_type3A_134 = arith.extui %ge3A_133 : i1 to i32
      %cond3A_135 = arith.constant 0 : i32
      %cond3A_136 = arith.cmpi ne, %convert_element_type3A_134, %cond3A_135 : i32
      scf.if %cond3A_136 {
        %sub3A_153 = arith.constant 1 : i32
        %sub3A_154 = arith.subi %scan3A_83, %sub3A_153 : i32
        %rem3A_155 = arith.constant 2 : i32
        %rem3A_156 = arith.remsi %sub3A_154, %rem3A_155 : i32
        %jit3A_157 = arith.constant 8 : i32
        %div3A_158 = arith.divsi %sub3A_154, %jit3A_157 : i32
        %sign3A_159 = arith.constant 0 : i32
        %sign3A_160 = arith.cmpi sgt, %sub3A_154, %sign3A_159 : i32
        %sign3A_161 = arith.extui %sign3A_160 : i1 to i32
        %sign3A_162 = arith.constant 0 : i32
        %sign3A_163 = arith.cmpi slt, %sub3A_154, %sign3A_162 : i32
        %sign3A_164 = arith.extui %sign3A_163 : i1 to i32
        %sign3A_165 = arith.subi %sign3A_161, %sign3A_164 : i32
        %sign3A_166 = arith.constant 0 : i32
        %sign3A_167 = arith.cmpi sgt, %jit3A_157, %sign3A_166 : i32
        %sign3A_168 = arith.extui %sign3A_167 : i1 to i32
        %sign3A_169 = arith.constant 0 : i32
        %sign3A_170 = arith.cmpi slt, %jit3A_157, %sign3A_169 : i32
        %sign3A_171 = arith.extui %sign3A_170 : i1 to i32
        %sign3A_172 = arith.subi %sign3A_168, %sign3A_171 : i32
        %ne3A_173 = arith.cmpi ne, %sign3A_165, %sign3A_172 : i32
        %rem3A_174 = arith.remsi %sub3A_154, %jit3A_157 : i32
        %ne3A_175 = arith.constant 0 : i32
        %ne3A_176 = arith.cmpi ne, %rem3A_174, %ne3A_175 : i32
        %and3A_177 = arith.andi %ne3A_173, %ne3A_176 : i1
        %sub3A_178 = arith.constant 1 : i32
        %sub3A_179 = arith.subi %div3A_158, %sub3A_178 : i32
        %select_n3A_180 = arith.select %and3A_177, %sub3A_179, %div3A_158 : i32
        %rem3A_181 = arith.constant 3 : i32
        %rem3A_182 = arith.remsi %select_n3A_180, %rem3A_181 : i32
        %rem3A_183 = arith.constant 8 : i32
        %rem3A_184 = arith.remsi %sub3A_154, %rem3A_183 : i32
        %dma_wait3A_185 = arith.constant 0 : i32
        %dma_wait3A_186 = arith.constant 0 : i32
        %dma_wait3A_187 = tpu.memref_slice %arg9[%rem3A_156, %dma_wait3A_185, %dma_wait3A_186] : memref<2x128x128xf32, #tpu.memory_space<vmem>> -> memref<1x128x128xf32, #tpu.memory_space<vmem>>
        %dma_wait3A_188 = tpu.memref_squeeze %dma_wait3A_187 : memref<1x128x128xf32, #tpu.memory_space<vmem>> -> memref<128x128xf32, #tpu.memory_space<vmem>>
        %dma_wait3A_189 = arith.constant 0 : i32
        %dma_wait3A_190 = tpu.memref_slice %arg8[%rem3A_182, %rem3A_184, %dma_wait3A_189] : memref<3x8x128xi32, #tpu.memory_space<vmem>> -> memref<1x1x128xi32, #tpu.memory_space<vmem>>
        %dma_wait3A_191 = tpu.memref_squeeze %dma_wait3A_190 : memref<1x1x128xi32, #tpu.memory_space<vmem>> -> memref<128xi32, #tpu.memory_space<vmem>>
        %dma_wait3A_192 = arith.constant 0 : i32
        %dma_wait3A_193 = arith.constant 0 : i32
        %dma_wait3A_194 = tpu.memref_slice %arg10[%dma_wait3A_192, %dma_wait3A_193] : memref<10112x128xf32, #tpu.memory_space<vmem_shared>> -> memref<10112x128xf32, #tpu.memory_space<vmem_shared>>
        %dma_wait3A_195 = tpu.memref_slice %arg12[%rem3A_156] : memref<2x!tpu.dma_semaphore, #tpu.memory_space<semaphore_mem>> -> memref<1x!tpu.dma_semaphore, #tpu.memory_space<semaphore_mem>>
        %dma_wait3A_196 = tpu.memref_squeeze %dma_wait3A_195 : memref<1x!tpu.dma_semaphore, #tpu.memory_space<semaphore_mem>> -> memref<!tpu.dma_semaphore, #tpu.memory_space<semaphore_mem>>
        tpu.wait_indirect_dma semaphore(%dma_wait3A_196 : memref<!tpu.dma_semaphore, #tpu.memory_space<semaphore_mem>>) src(%dma_wait3A_188 : memref<128x128xf32, #tpu.memory_space<vmem>>) dst(%dma_wait3A_194 : memref<10112x128xf32, #tpu.memory_space<vmem_shared>>)
      } else {
      }
      %eq3A_137 = arith.constant 0 : i32
      %eq3A_138 = arith.cmpi eq, %rem3A_104, %eq3A_137 : i32
      %add3A_139 = arith.constant 2 : i32
      %add3A_140 = arith.addi %select_n3A, %add3A_139 : i32
      %lt3A = arith.constant 10 : i32
      %lt3A_141 = arith.cmpi slt, %add3A_140, %lt3A : i32
      %and3A_142 = arith.andi %eq3A_138, %lt3A_141 : i1
      %convert_element_type3A_143 = arith.extui %and3A_142 : i1 to i32
      %cond3A_144 = arith.constant 0 : i32
      %cond3A_145 = arith.cmpi ne, %convert_element_type3A_143, %cond3A_144 : i32
      scf.if %cond3A_145 {
        %add3A_153 = arith.constant 2 : i32
        %add3A_154 = arith.addi %select_n3A, %add3A_153 : i32
        %rem3A_155 = arith.constant 3 : i32
        %rem3A_156 = arith.remsi %add3A_154, %rem3A_155 : i32
        %mul3A_157 = arith.constant 8 : i32
        %mul3A_158 = arith.muli %add3A_154, %mul3A_157 : i32
        %dma_start3A_159 = arith.constant 0 : i32
        %dma_start3A_160 = arith.constant 0 : i32
        %dma_start3A_161 = tpu.memref_slice %arg8[%rem3A_156, %dma_start3A_159, %dma_start3A_160] : memref<3x8x128xi32, #tpu.memory_space<vmem>> -> memref<1x8x128xi32, #tpu.memory_space<vmem>>
        %dma_start3A_162 = tpu.memref_squeeze %dma_start3A_161 : memref<1x8x128xi32, #tpu.memory_space<vmem>> -> memref<8x128xi32, #tpu.memory_space<vmem>>
        %dma_start3A_163 = arith.constant 0 : i32
        %dma_start3A_164 = tpu.memref_slice %arg4[%add3A, %mul3A_158, %dma_start3A_163] : memref<32x80x128xi32, #tpu.memory_space<hbm>> -> memref<1x8x128xi32, #tpu.memory_space<hbm>>
        %dma_start3A_165 = tpu.memref_squeeze %dma_start3A_164 : memref<1x8x128xi32, #tpu.memory_space<hbm>> -> memref<8x128xi32, #tpu.memory_space<hbm>>
        %dma_start3A_166 = tpu.memref_slice %arg13[%rem3A_156] : memref<3x!tpu.dma_semaphore, #tpu.memory_space<semaphore_mem>> -> memref<1x!tpu.dma_semaphore, #tpu.memory_space<semaphore_mem>>
        %dma_start3A_167 = tpu.memref_squeeze %dma_start3A_166 : memref<1x!tpu.dma_semaphore, #tpu.memory_space<semaphore_mem>> -> memref<!tpu.dma_semaphore, #tpu.memory_space<semaphore_mem>>
        %dma_start3A_168 = arith.constant 0 : i32
        %dma_start3A_169 = arith.constant 0 : i32
        %dma_start3A_170 = tpu.memref_slice %arg8[%rem3A_156, %dma_start3A_168, %dma_start3A_169] : memref<3x8x128xi32, #tpu.memory_space<vmem>> -> memref<1x8x128xi32, #tpu.memory_space<vmem>>
        %dma_start3A_171 = tpu.memref_squeeze %dma_start3A_170 : memref<1x8x128xi32, #tpu.memory_space<vmem>> -> memref<8x128xi32, #tpu.memory_space<vmem>>
        %dma_start3A_172 = arith.constant 0 : i32
        %dma_start3A_173 = tpu.memref_slice %arg4[%add3A, %mul3A_158, %dma_start3A_172] : memref<32x80x128xi32, #tpu.memory_space<hbm>> -> memref<1x8x128xi32, #tpu.memory_space<hbm>>
        %dma_start3A_174 = tpu.memref_squeeze %dma_start3A_173 : memref<1x8x128xi32, #tpu.memory_space<hbm>> -> memref<8x128xi32, #tpu.memory_space<hbm>>
        tpu.enqueue_dma source(%dma_start3A_174 : memref<8x128xi32, #tpu.memory_space<hbm>>) target(%dma_start3A_171 : memref<8x128xi32, #tpu.memory_space<vmem>>) target_semaphore(%dma_start3A_167 : memref<!tpu.dma_semaphore, #tpu.memory_space<semaphore_mem>>)
      } else {
      }
      %add3A_146 = arith.constant 1 : i32
      %add3A_147 = arith.addi %scan3A_83, %add3A_146 : i32
      %lt3A_148 = arith.constant 80 : i32
      %lt3A_149 = arith.cmpi slt, %add3A_147, %lt3A_148 : i32
      %convert_element_type3A_150 = arith.extui %lt3A_149 : i1 to i32
      %cond3A_151 = arith.constant 0 : i32
      %cond3A_152 = arith.cmpi ne, %convert_element_type3A_150, %cond3A_151 : i32
      scf.if %cond3A_152 {
        %add3A_153 = arith.constant 1 : i32
        %add3A_154 = arith.addi %scan3A_83, %add3A_153 : i32
        %add3A_155 = arith.constant 1 : i32
        %add3A_156 = arith.addi %scan3A_83, %add3A_155 : i32
        %rem3A_157 = arith.constant 2 : i32
        %rem3A_158 = arith.remsi %add3A_156, %rem3A_157 : i32
        %dma_start3A_159 = arith.constant 0 : i32
        %dma_start3A_160 = arith.constant 0 : i32
        %dma_start3A_161 = tpu.memref_slice %arg9[%rem3A_158, %dma_start3A_159, %dma_start3A_160] : memref<2x128x128xf32, #tpu.memory_space<vmem>> -> memref<1x128x128xf32, #tpu.memory_space<vmem>>
        %dma_start3A_162 = tpu.memref_squeeze %dma_start3A_161 : memref<1x128x128xf32, #tpu.memory_space<vmem>> -> memref<128x128xf32, #tpu.memory_space<vmem>>
        %dma_start3A_163 = arith.constant 0 : i32
        %dma_start3A_164 = tpu.memref_slice %arg7[%add3A_154, %dma_start3A_163] : memref<80x128xi32, #tpu.memory_space<vmem>> -> memref<1x128xi32, #tpu.memory_space<vmem>>
        %dma_start3A_165 = tpu.memref_squeeze %dma_start3A_164 : memref<1x128xi32, #tpu.memory_space<vmem>> -> memref<128xi32, #tpu.memory_space<vmem>>
        %dma_start3A_166 = arith.constant 0 : i32
        %dma_start3A_167 = arith.constant 0 : i32
        %dma_start3A_168 = tpu.memref_slice %arg2[%dma_start3A_166, %dma_start3A_167] : memref<10240x128xf32, #tpu.memory_space<hbm>> -> memref<10240x128xf32, #tpu.memory_space<hbm>>
        %dma_start3A_169 = tpu.memref_slice %arg11[%rem3A_158] : memref<2x!tpu.dma_semaphore, #tpu.memory_space<semaphore_mem>> -> memref<1x!tpu.dma_semaphore, #tpu.memory_space<semaphore_mem>>
        %dma_start3A_170 = tpu.memref_squeeze %dma_start3A_169 : memref<1x!tpu.dma_semaphore, #tpu.memory_space<semaphore_mem>> -> memref<!tpu.dma_semaphore, #tpu.memory_space<semaphore_mem>>
        tpu.enqueue_indirect_dma source(%dma_start3A_168 : memref<10240x128xf32, #tpu.memory_space<hbm>>) target(%dma_start3A_162 : memref<128x128xf32, #tpu.memory_space<vmem>>) offsets(%dma_start3A_165 : memref<128xi32, #tpu.memory_space<vmem>>) semaphore(%dma_start3A_170 : memref<!tpu.dma_semaphore, #tpu.memory_space<semaphore_mem>>)
      } else {
      }
    }
    %scan3A_62 = arith.constant 80 : i32
    %dma_wait3A = arith.constant 1 : i32
    %dma_wait3A_63 = arith.constant 0 : i32
    %dma_wait3A_64 = arith.constant 7 : i32
    %dma_wait3A_65 = arith.constant 1 : i32
    %dma_wait3A_66 = arith.constant 0 : i32
    %dma_wait3A_67 = arith.constant 0 : i32
    %dma_wait3A_68 = tpu.memref_slice %arg9[%dma_wait3A, %dma_wait3A_66, %dma_wait3A_67] : memref<2x128x128xf32, #tpu.memory_space<vmem>> -> memref<1x128x128xf32, #tpu.memory_space<vmem>>
    %dma_wait3A_69 = tpu.memref_squeeze %dma_wait3A_68 : memref<1x128x128xf32, #tpu.memory_space<vmem>> -> memref<128x128xf32, #tpu.memory_space<vmem>>
    %dma_wait3A_70 = arith.constant 0 : i32
    %dma_wait3A_71 = tpu.memref_slice %arg8[%dma_wait3A_63, %dma_wait3A_64, %dma_wait3A_70] : memref<3x8x128xi32, #tpu.memory_space<vmem>> -> memref<1x1x128xi32, #tpu.memory_space<vmem>>
    %dma_wait3A_72 = tpu.memref_squeeze %dma_wait3A_71 : memref<1x1x128xi32, #tpu.memory_space<vmem>> -> memref<128xi32, #tpu.memory_space<vmem>>
    %dma_wait3A_73 = arith.constant 0 : i32
    %dma_wait3A_74 = arith.constant 0 : i32
    %dma_wait3A_75 = tpu.memref_slice %arg10[%dma_wait3A_73, %dma_wait3A_74] : memref<10112x128xf32, #tpu.memory_space<vmem_shared>> -> memref<10112x128xf32, #tpu.memory_space<vmem_shared>>
    %dma_wait3A_76 = tpu.memref_slice %arg12[%dma_wait3A_65] : memref<2x!tpu.dma_semaphore, #tpu.memory_space<semaphore_mem>> -> memref<1x!tpu.dma_semaphore, #tpu.memory_space<semaphore_mem>>
    %dma_wait3A_77 = tpu.memref_squeeze %dma_wait3A_76 : memref<1x!tpu.dma_semaphore, #tpu.memory_space<semaphore_mem>> -> memref<!tpu.dma_semaphore, #tpu.memory_space<semaphore_mem>>
    tpu.wait_indirect_dma semaphore(%dma_wait3A_77 : memref<!tpu.dma_semaphore, #tpu.memory_space<semaphore_mem>>) src(%dma_wait3A_69 : memref<128x128xf32, #tpu.memory_space<vmem>>) dst(%dma_wait3A_75 : memref<10112x128xf32, #tpu.memory_space<vmem_shared>>)
    %barrier3A_78 = arith.constant 0 : index
    tpu.barrier barrier_id(%barrier3A_78)
    %mul3A_79 = arith.constant 632 : i32
    %mul3A_80 = arith.muli %arg1, %mul3A_79 : i32
    %mul3A_81 = arith.constant 632 : i32
    %mul3A_82 = arith.muli %arg1, %mul3A_81 : i32
    "tpu.region"() ({
      %run_scoped3A = tpu.sem_alloc : memref<!tpu.dma_semaphore, #tpu.memory_space<semaphore_mem>>
      %dma_start3A_83 = arith.constant 0 : i32
      %dma_start3A_84 = tpu.memref_slice %arg6[%arg0, %mul3A_82, %dma_start3A_83] : memref<2x10240x128xf32, #tpu.memory_space<hbm>> -> memref<1x632x128xf32, #tpu.memory_space<hbm>>
      %dma_start3A_85 = tpu.memref_squeeze %dma_start3A_84 : memref<1x632x128xf32, #tpu.memory_space<hbm>> -> memref<632x128xf32, #tpu.memory_space<hbm>>
      %dma_start3A_86 = arith.constant 0 : i32
      %dma_start3A_87 = tpu.memref_slice %arg10[%mul3A_80, %dma_start3A_86] : memref<10112x128xf32, #tpu.memory_space<vmem_shared>> -> memref<632x128xf32, #tpu.memory_space<vmem_shared>>
      tpu.enqueue_dma source(%dma_start3A_87 : memref<632x128xf32, #tpu.memory_space<vmem_shared>>) target(%dma_start3A_85 : memref<632x128xf32, #tpu.memory_space<hbm>>) target_semaphore(%run_scoped3A : memref<!tpu.dma_semaphore, #tpu.memory_space<semaphore_mem>>)
      %dma_wait3A_88 = arith.constant 0 : i32
      %dma_wait3A_89 = tpu.memref_slice %arg6[%arg0, %mul3A_82, %dma_wait3A_88] : memref<2x10240x128xf32, #tpu.memory_space<hbm>> -> memref<1x632x128xf32, #tpu.memory_space<hbm>>
      %dma_wait3A_90 = tpu.memref_squeeze %dma_wait3A_89 : memref<1x632x128xf32, #tpu.memory_space<hbm>> -> memref<632x128xf32, #tpu.memory_space<hbm>>
      %dma_wait3A_91 = arith.constant 0 : i32
      %dma_wait3A_92 = tpu.memref_slice %arg10[%mul3A_80, %dma_wait3A_91] : memref<10112x128xf32, #tpu.memory_space<vmem_shared>> -> memref<632x128xf32, #tpu.memory_space<vmem_shared>>
      tpu.wait_dma2 semaphore(%run_scoped3A : memref<!tpu.dma_semaphore, #tpu.memory_space<semaphore_mem>>) src(%dma_wait3A_92 : memref<632x128xf32, #tpu.memory_space<vmem_shared>>) dst(%dma_wait3A_90 : memref<632x128xf32, #tpu.memory_space<hbm>>)
      tpu.yield
    }) : () -> ()
    return
  }
}

module attributes {stable_mosaic.version = 14 : i64} {
  func.func @_mlp_body(%arg0: i32, %arg1: memref<512x128xf32, #tpu.memory_space<vmem>>, %arg2: memref<2x512x128xf32, #tpu.memory_space<vmem>>, %arg3: memref<128x128xf32, #tpu.memory_space<vmem>>, %arg4: memref<1x128xf32, #tpu.memory_space<vmem>>, %arg5: memref<128x128xf32, #tpu.memory_space<vmem>>, %arg6: memref<1x128xf32, #tpu.memory_space<vmem>>, %arg7: memref<512x128xf32, #tpu.memory_space<vmem>>) attributes {dimension_semantics = [#tpu.dimension_semantics<arbitrary>], iteration_bounds = array<i64: 20>, scalar_prefetch = 0 : i64, scratch_operands = 0 : i64, tpu.core_type = #tpu.core_type<tc>, window_params = [{transform_indices = @transform_0, window_bounds = array<i64: 512, 128>}, {transform_indices = @transform_1, window_bounds = array<i64: 2, 512, 128>}, {pipeline_mode = #tpu.pipeline_mode<synchronous>, transform_indices = @transform_2, window_bounds = array<i64: 128, 128>}, {pipeline_mode = #tpu.pipeline_mode<synchronous>, transform_indices = @transform_3, window_bounds = array<i64: 1, 128>}, {pipeline_mode = #tpu.pipeline_mode<synchronous>, transform_indices = @transform_4, window_bounds = array<i64: 128, 128>}, {pipeline_mode = #tpu.pipeline_mode<synchronous>, transform_indices = @transform_5, window_bounds = array<i64: 1, 128>}, {transform_indices = @transform_6, window_bounds = array<i64: 512, 128>}]} {
    %get3A = arith.constant 0 : index
    %get3A_0 = arith.constant 0 : index
    %get3A_1 = vector.load %arg1[%get3A, %get3A_0] : memref<512x128xf32, #tpu.memory_space<vmem>>, vector<512x128xf32>
    %get3A_2 = arith.constant 0 : index
    %get3A_3 = arith.constant 0 : index
    %get3A_4 = arith.constant 0 : index
    %get3A_5 = vector.load %arg2[%get3A_2, %get3A_3, %get3A_4] : memref<2x512x128xf32, #tpu.memory_space<vmem>>, vector<1x512x128xf32>
    %get3A_6 = vector.shape_cast %get3A_5 : vector<1x512x128xf32> to vector<512x128xf32>
    %add3A = arith.addf %get3A_1, %get3A_6 : vector<512x128xf32>
    %get3A_7 = arith.constant 1 : index
    %get3A_8 = arith.constant 0 : index
    %get3A_9 = arith.constant 0 : index
    %get3A_10 = vector.load %arg2[%get3A_7, %get3A_8, %get3A_9] : memref<2x512x128xf32, #tpu.memory_space<vmem>>, vector<1x512x128xf32>
    %get3A_11 = vector.shape_cast %get3A_10 : vector<1x512x128xf32> to vector<512x128xf32>
    %add3A_12 = arith.addf %add3A, %get3A_11 : vector<512x128xf32>
    %iota3A = tpu.iota {dimensions = array<i32: 0>} : vector<512x1xi32>
    %mul3A = arith.constant 512 : i32
    %mul3A_13 = arith.muli %arg0, %mul3A : i32
    %add3A_14 = vector.broadcast %mul3A_13 : i32 to vector<512x1xi32>
    %add3A_15 = arith.addi %iota3A, %add3A_14 : vector<512x1xi32>
    %lt3A = arith.constant 10000 : i32
    %lt3A_16 = vector.broadcast %lt3A : i32 to vector<512x1xi32>
    %lt3A_17 = arith.cmpi slt, %add3A_15, %lt3A_16 : vector<512x1xi32>
    %convert_element_type3A = arith.extui %lt3A_17 : vector<512x1xi1> to vector<512x1xi32>
    %convert_element_type3A_18 = arith.sitofp %convert_element_type3A : vector<512x1xi32> to vector<512x1xf32>
    %mul3A_19 = vector.broadcast %convert_element_type3A_18 : vector<512x1xf32> to vector<512x128xf32>
    %mul3A_20 = arith.mulf %add3A_12, %mul3A_19 : vector<512x128xf32>
    %get3A_21 = arith.constant 0 : index
    %get3A_22 = arith.constant 0 : index
    %get3A_23 = vector.load %arg3[%get3A_21, %get3A_22] : memref<128x128xf32, #tpu.memory_space<vmem>>, vector<128x128xf32>
    %dot_general3A = arith.constant dense<0.000000e+00> : vector<512x128xf32>
    %dot_general3A_24 = tpu.matmul %mul3A_20, %get3A_23, %dot_general3A {dimension_numbers = #tpu.dot_dimension_numbers<[1], [1], [0], [0], [0, 0, 1, 0], [], []>, precision = #tpu.contract_precision<fp32>, transpose_lhs_hint = false} : vector<512x128xf32>, vector<128x128xf32>, vector<512x128xf32> -> vector<512x128xf32>
    %get3A_25 = arith.constant 0 : index
    %get3A_26 = arith.constant 0 : index
    %get3A_27 = vector.load %arg4[%get3A_25, %get3A_26] : memref<1x128xf32, #tpu.memory_space<vmem>>, vector<1x128xf32>
    %add3A_28 = vector.broadcast %get3A_27 : vector<1x128xf32> to vector<512x128xf32>
    %add3A_29 = arith.addf %dot_general3A_24, %add3A_28 : vector<512x128xf32>
    %max3A = arith.constant 0.000000e+00 : f32
    %max3A_30 = vector.broadcast %max3A : f32 to vector<512x128xf32>
    %max3A_31 = arith.maximumf %add3A_29, %max3A_30 : vector<512x128xf32>
    %get3A_32 = arith.constant 0 : index
    %get3A_33 = arith.constant 0 : index
    %get3A_34 = vector.load %arg5[%get3A_32, %get3A_33] : memref<128x128xf32, #tpu.memory_space<vmem>>, vector<128x128xf32>
    %dot_general3A_35 = arith.constant dense<0.000000e+00> : vector<512x128xf32>
    %dot_general3A_36 = tpu.matmul %max3A_31, %get3A_34, %dot_general3A_35 {dimension_numbers = #tpu.dot_dimension_numbers<[1], [1], [0], [0], [0, 0, 1, 0], [], []>, precision = #tpu.contract_precision<fp32>, transpose_lhs_hint = false} : vector<512x128xf32>, vector<128x128xf32>, vector<512x128xf32> -> vector<512x128xf32>
    %get3A_37 = arith.constant 0 : index
    %get3A_38 = arith.constant 0 : index
    %get3A_39 = vector.load %arg6[%get3A_37, %get3A_38] : memref<1x128xf32, #tpu.memory_space<vmem>>, vector<1x128xf32>
    %add3A_40 = vector.broadcast %get3A_39 : vector<1x128xf32> to vector<512x128xf32>
    %add3A_41 = arith.addf %dot_general3A_36, %add3A_40 : vector<512x128xf32>
    %swap3A = arith.constant 0 : index
    %swap3A_42 = arith.constant 0 : index
    %swap3A_43 = vector.load %arg7[%swap3A, %swap3A_42] : memref<512x128xf32, #tpu.memory_space<vmem>>, vector<512x128xf32>
    tpu.vector_store %arg7[%swap3A, %swap3A_42], %add3A_41 {strides = array<i32>} : memref<512x128xf32, #tpu.memory_space<vmem>>, vector<512x128xf32>,
    return
  }
  func.func @transform_0(%arg0: i32) -> (i32, i32) {
    %c0_i32 = arith.constant 0 : i32
    %c0_i32_0 = arith.constant 0 : i32
    return %arg0, %c0_i32 : i32, i32
  }
  func.func @transform_1(%arg0: i32) -> (i32, i32, i32) {
    %c0_i32 = arith.constant 0 : i32
    %c0_i32_0 = arith.constant 0 : i32
    %c0_i32_1 = arith.constant 0 : i32
    return %c0_i32, %arg0, %c0_i32_0 : i32, i32, i32
  }
  func.func @transform_2(%arg0: i32) -> (i32, i32) {
    %c0_i32 = arith.constant 0 : i32
    %c0_i32_0 = arith.constant 0 : i32
    %c0_i32_1 = arith.constant 0 : i32
    return %c0_i32, %c0_i32_0 : i32, i32
  }
  func.func @transform_3(%arg0: i32) -> (i32, i32) {
    %c0_i32 = arith.constant 0 : i32
    %c0_i32_0 = arith.constant 0 : i32
    %c0_i32_1 = arith.constant 0 : i32
    return %c0_i32, %c0_i32_0 : i32, i32
  }
  func.func @transform_4(%arg0: i32) -> (i32, i32) {
    %c0_i32 = arith.constant 0 : i32
    %c0_i32_0 = arith.constant 0 : i32
    %c0_i32_1 = arith.constant 0 : i32
    return %c0_i32, %c0_i32_0 : i32, i32
  }
  func.func @transform_5(%arg0: i32) -> (i32, i32) {
    %c0_i32 = arith.constant 0 : i32
    %c0_i32_0 = arith.constant 0 : i32
    %c0_i32_1 = arith.constant 0 : i32
    return %c0_i32, %c0_i32_0 : i32, i32
  }
  func.func @transform_6(%arg0: i32) -> (i32, i32) {
    %c0_i32 = arith.constant 0 : i32
    %c0_i32_0 = arith.constant 0 : i32
    return %arg0, %c0_i32 : i32, i32
  }
}

module attributes {stable_mosaic.version = 14 : i64} {
  func.func @_mlp_pool_body(%arg0: i32, %arg1: memref<512x128xf32, #tpu.memory_space<vmem>>, %arg2: memref<2x512x128xf32, #tpu.memory_space<vmem>>, %arg3: memref<128x128xf32, #tpu.memory_space<vmem>>, %arg4: memref<1x128xf32, #tpu.memory_space<vmem>>, %arg5: memref<128x128xf32, #tpu.memory_space<vmem>>, %arg6: memref<1x128xf32, #tpu.memory_space<vmem>>, %arg7: memref<1x1x512xi32, #tpu.memory_space<vmem>>, %arg8: memref<64x128xf32, #tpu.memory_space<vmem>>, %arg9: memref<64x128xf32, #tpu.memory_space<vmem>>, %arg10: memref<64x128xf32, #tpu.memory_space<vmem>>) attributes {dimension_semantics = [#tpu.dimension_semantics<arbitrary>], iteration_bounds = array<i64: 20>, scalar_prefetch = 0 : i64, scratch_operands = 2 : i64, tpu.core_type = #tpu.core_type<tc>, window_params = [{transform_indices = @transform_0, window_bounds = array<i64: 512, 128>}, {transform_indices = @transform_1, window_bounds = array<i64: 2, 512, 128>}, {pipeline_mode = #tpu.pipeline_mode<synchronous>, transform_indices = @transform_2, window_bounds = array<i64: 128, 128>}, {pipeline_mode = #tpu.pipeline_mode<synchronous>, transform_indices = @transform_3, window_bounds = array<i64: 1, 128>}, {pipeline_mode = #tpu.pipeline_mode<synchronous>, transform_indices = @transform_4, window_bounds = array<i64: 128, 128>}, {pipeline_mode = #tpu.pipeline_mode<synchronous>, transform_indices = @transform_5, window_bounds = array<i64: 1, 128>}, {transform_indices = @transform_6, window_bounds = array<i64: 1, 1, 512>}, {pipeline_mode = #tpu.pipeline_mode<synchronous>, transform_indices = @transform_7, window_bounds = array<i64: 64, 128>}]} {
    %eq3A = arith.constant 0 : i32
    %eq3A_0 = arith.cmpi eq, %arg0, %eq3A : i32
    %convert_element_type3A = arith.extui %eq3A_0 : i1 to i32
    %cond3A = arith.constant 0 : i32
    %cond3A_1 = arith.cmpi ne, %convert_element_type3A, %cond3A : i32
    scf.if %cond3A_1 {
      %broadcast_in_dim3A_79 = arith.constant 0.000000e+00 : f32
      %broadcast_in_dim3A_80 = vector.broadcast %broadcast_in_dim3A_79 : f32 to vector<64x128xf32>
      %swap3A_81 = arith.constant 0 : index
      %swap3A_82 = arith.constant 0 : index
      %swap3A_83 = vector.load %arg9[%swap3A_81, %swap3A_82] : memref<64x128xf32, #tpu.memory_space<vmem>>, vector<64x128xf32>
      tpu.vector_store %arg9[%swap3A_81, %swap3A_82], %broadcast_in_dim3A_80 {strides = array<i32>} : memref<64x128xf32, #tpu.memory_space<vmem>>, vector<64x128xf32>,
      %broadcast_in_dim3A_84 = arith.constant 0.000000e+00 : f32
      %broadcast_in_dim3A_85 = vector.broadcast %broadcast_in_dim3A_84 : f32 to vector<64x128xf32>
      %swap3A_86 = arith.constant 0 : index
      %swap3A_87 = arith.constant 0 : index
      %swap3A_88 = vector.load %arg10[%swap3A_86, %swap3A_87] : memref<64x128xf32, #tpu.memory_space<vmem>>, vector<64x128xf32>
      tpu.vector_store %arg10[%swap3A_86, %swap3A_87], %broadcast_in_dim3A_85 {strides = array<i32>} : memref<64x128xf32, #tpu.memory_space<vmem>>, vector<64x128xf32>,
    } else {
    }
    %get3A = arith.constant 0 : index
    %get3A_2 = arith.constant 0 : index
    %get3A_3 = vector.load %arg1[%get3A, %get3A_2] : memref<512x128xf32, #tpu.memory_space<vmem>>, vector<512x128xf32>
    %get3A_4 = arith.constant 0 : index
    %get3A_5 = arith.constant 0 : index
    %get3A_6 = arith.constant 0 : index
    %get3A_7 = vector.load %arg2[%get3A_4, %get3A_5, %get3A_6] : memref<2x512x128xf32, #tpu.memory_space<vmem>>, vector<1x512x128xf32>
    %get3A_8 = vector.shape_cast %get3A_7 : vector<1x512x128xf32> to vector<512x128xf32>
    %add3A = arith.addf %get3A_3, %get3A_8 : vector<512x128xf32>
    %get3A_9 = arith.constant 1 : index
    %get3A_10 = arith.constant 0 : index
    %get3A_11 = arith.constant 0 : index
    %get3A_12 = vector.load %arg2[%get3A_9, %get3A_10, %get3A_11] : memref<2x512x128xf32, #tpu.memory_space<vmem>>, vector<1x512x128xf32>
    %get3A_13 = vector.shape_cast %get3A_12 : vector<1x512x128xf32> to vector<512x128xf32>
    %add3A_14 = arith.addf %add3A, %get3A_13 : vector<512x128xf32>
    %iota3A = tpu.iota {dimensions = array<i32: 0>} : vector<512x1xi32>
    %mul3A = arith.constant 512 : i32
    %mul3A_15 = arith.muli %arg0, %mul3A : i32
    %add3A_16 = vector.broadcast %mul3A_15 : i32 to vector<512x1xi32>
    %add3A_17 = arith.addi %iota3A, %add3A_16 : vector<512x1xi32>
    %lt3A = arith.constant 10000 : i32
    %lt3A_18 = vector.broadcast %lt3A : i32 to vector<512x1xi32>
    %lt3A_19 = arith.cmpi slt, %add3A_17, %lt3A_18 : vector<512x1xi32>
    %convert_element_type3A_20 = arith.extui %lt3A_19 : vector<512x1xi1> to vector<512x1xi32>
    %convert_element_type3A_21 = arith.sitofp %convert_element_type3A_20 : vector<512x1xi32> to vector<512x1xf32>
    %mul3A_22 = vector.broadcast %convert_element_type3A_21 : vector<512x1xf32> to vector<512x128xf32>
    %mul3A_23 = arith.mulf %add3A_14, %mul3A_22 : vector<512x128xf32>
    %get3A_24 = arith.constant 0 : index
    %get3A_25 = arith.constant 0 : index
    %get3A_26 = vector.load %arg3[%get3A_24, %get3A_25] : memref<128x128xf32, #tpu.memory_space<vmem>>, vector<128x128xf32>
    %dot_general3A = arith.constant dense<0.000000e+00> : vector<512x128xf32>
    %dot_general3A_27 = tpu.matmul %mul3A_23, %get3A_26, %dot_general3A {dimension_numbers = #tpu.dot_dimension_numbers<[1], [1], [0], [0], [0, 0, 1, 0], [], []>, precision = #tpu.contract_precision<fp32>, transpose_lhs_hint = false} : vector<512x128xf32>, vector<128x128xf32>, vector<512x128xf32> -> vector<512x128xf32>
    %get3A_28 = arith.constant 0 : index
    %get3A_29 = arith.constant 0 : index
    %get3A_30 = vector.load %arg4[%get3A_28, %get3A_29] : memref<1x128xf32, #tpu.memory_space<vmem>>, vector<1x128xf32>
    %add3A_31 = vector.broadcast %get3A_30 : vector<1x128xf32> to vector<512x128xf32>
    %add3A_32 = arith.addf %dot_general3A_27, %add3A_31 : vector<512x128xf32>
    %max3A = arith.constant 0.000000e+00 : f32
    %max3A_33 = vector.broadcast %max3A : f32 to vector<512x128xf32>
    %max3A_34 = arith.maximumf %add3A_32, %max3A_33 : vector<512x128xf32>
    %get3A_35 = arith.constant 0 : index
    %get3A_36 = arith.constant 0 : index
    %get3A_37 = vector.load %arg5[%get3A_35, %get3A_36] : memref<128x128xf32, #tpu.memory_space<vmem>>, vector<128x128xf32>
    %dot_general3A_38 = arith.constant dense<0.000000e+00> : vector<512x128xf32>
    %dot_general3A_39 = tpu.matmul %max3A_34, %get3A_37, %dot_general3A_38 {dimension_numbers = #tpu.dot_dimension_numbers<[1], [1], [0], [0], [0, 0, 1, 0], [], []>, precision = #tpu.contract_precision<fp32>, transpose_lhs_hint = false} : vector<512x128xf32>, vector<128x128xf32>, vector<512x128xf32> -> vector<512x128xf32>
    %get3A_40 = arith.constant 0 : index
    %get3A_41 = arith.constant 0 : index
    %get3A_42 = vector.load %arg6[%get3A_40, %get3A_41] : memref<1x128xf32, #tpu.memory_space<vmem>>, vector<1x128xf32>
    %add3A_43 = vector.broadcast %get3A_42 : vector<1x128xf32> to vector<512x128xf32>
    %add3A_44 = arith.addf %dot_general3A_39, %add3A_43 : vector<512x128xf32>
    %get3A_45 = arith.constant 0 : index
    %get3A_46 = arith.constant 0 : index
    %get3A_47 = arith.constant 0 : index
    %get3A_48 = vector.load %arg7[%get3A_45, %get3A_46, %get3A_47] : memref<1x1x512xi32, #tpu.memory_space<vmem>>, vector<1x1x512xi32>
    %get3A_49 = vector.shape_cast %get3A_48 : vector<1x1x512xi32> to vector<512xi32>
    %broadcast_in_dim3A = vector.shape_cast %get3A_49 : vector<512xi32> to vector<512x1xi32>
    %iota3A_50 = tpu.iota {dimensions = array<i32: 1>} : vector<512x64xi32>
    %eq3A_51 = vector.broadcast %broadcast_in_dim3A : vector<512x1xi32> to vector<512x64xi32>
    %eq3A_52 = arith.cmpi eq, %eq3A_51, %iota3A_50 : vector<512x64xi32>
    %convert_element_type3A_53 = arith.extui %eq3A_52 : vector<512x64xi1> to vector<512x64xi32>
    %convert_element_type3A_54 = arith.sitofp %convert_element_type3A_53 : vector<512x64xi32> to vector<512x64xf32>
    %get3A_55 = arith.constant 0 : index
    %get3A_56 = arith.constant 0 : index
    %get3A_57 = vector.load %arg9[%get3A_55, %get3A_56] : memref<64x128xf32, #tpu.memory_space<vmem>>, vector<64x128xf32>
    %dot_general3A_58 = arith.constant dense<0.000000e+00> : vector<64x128xf32>
    %dot_general3A_59 = tpu.matmul %convert_element_type3A_54, %add3A_44, %dot_general3A_58 {dimension_numbers = #tpu.dot_dimension_numbers<[0], [0], [1], [1], [0, 1, 1, 1], [], []>, precision = #tpu.contract_precision<fp32>, transpose_lhs_hint = false} : vector<512x64xf32>, vector<512x128xf32>, vector<64x128xf32> -> vector<64x128xf32>
    %add3A_60 = arith.addf %get3A_57, %dot_general3A_59 : vector<64x128xf32>
    %swap3A = arith.constant 0 : index
    %swap3A_61 = arith.constant 0 : index
    %swap3A_62 = vector.load %arg9[%swap3A, %swap3A_61] : memref<64x128xf32, #tpu.memory_space<vmem>>, vector<64x128xf32>
    tpu.vector_store %arg9[%swap3A, %swap3A_61], %add3A_60 {strides = array<i32>} : memref<64x128xf32, #tpu.memory_space<vmem>>, vector<64x128xf32>,
    %get3A_63 = arith.constant 0 : index
    %get3A_64 = arith.constant 0 : index
    %get3A_65 = vector.load %arg10[%get3A_63, %get3A_64] : memref<64x128xf32, #tpu.memory_space<vmem>>, vector<64x128xf32>
    %broadcast_in_dim3A_66 = arith.constant 1.000000e+00 : f32
    %broadcast_in_dim3A_67 = vector.broadcast %broadcast_in_dim3A_66 : f32 to vector<512x128xf32>
    %dot_general3A_68 = arith.constant dense<0.000000e+00> : vector<64x128xf32>
    %dot_general3A_69 = tpu.matmul %convert_element_type3A_54, %broadcast_in_dim3A_67, %dot_general3A_68 {dimension_numbers = #tpu.dot_dimension_numbers<[0], [0], [1], [1], [0, 1, 1, 1], [], []>, precision = #tpu.contract_precision<fp32>, transpose_lhs_hint = false} : vector<512x64xf32>, vector<512x128xf32>, vector<64x128xf32> -> vector<64x128xf32>
    %add3A_70 = arith.addf %get3A_65, %dot_general3A_69 : vector<64x128xf32>
    %swap3A_71 = arith.constant 0 : index
    %swap3A_72 = arith.constant 0 : index
    %swap3A_73 = vector.load %arg10[%swap3A_71, %swap3A_72] : memref<64x128xf32, #tpu.memory_space<vmem>>, vector<64x128xf32>
    tpu.vector_store %arg10[%swap3A_71, %swap3A_72], %add3A_70 {strides = array<i32>} : memref<64x128xf32, #tpu.memory_space<vmem>>, vector<64x128xf32>,
    %eq3A_74 = arith.constant 19 : i32
    %eq3A_75 = arith.cmpi eq, %arg0, %eq3A_74 : i32
    %convert_element_type3A_76 = arith.extui %eq3A_75 : i1 to i32
    %cond3A_77 = arith.constant 0 : i32
    %cond3A_78 = arith.cmpi ne, %convert_element_type3A_76, %cond3A_77 : i32
    scf.if %cond3A_78 {
      %get3A_79 = arith.constant 0 : index
      %get3A_80 = arith.constant 0 : index
      %get3A_81 = vector.load %arg9[%get3A_79, %get3A_80] : memref<64x128xf32, #tpu.memory_space<vmem>>, vector<64x128xf32>
      %get3A_82 = arith.constant 0 : index
      %get3A_83 = arith.constant 0 : index
      %get3A_84 = vector.load %arg10[%get3A_82, %get3A_83] : memref<64x128xf32, #tpu.memory_space<vmem>>, vector<64x128xf32>
      %max3A_85 = arith.constant 1.000000e+00 : f32
      %max3A_86 = vector.broadcast %max3A_85 : f32 to vector<64x128xf32>
      %max3A_87 = arith.maximumf %get3A_84, %max3A_86 : vector<64x128xf32>
      %div3A = arith.divf %get3A_81, %max3A_87 : vector<64x128xf32>
      %swap3A_88 = arith.constant 0 : index
      %swap3A_89 = arith.constant 0 : index
      %swap3A_90 = vector.load %arg8[%swap3A_88, %swap3A_89] : memref<64x128xf32, #tpu.memory_space<vmem>>, vector<64x128xf32>
      tpu.vector_store %arg8[%swap3A_88, %swap3A_89], %div3A {strides = array<i32>} : memref<64x128xf32, #tpu.memory_space<vmem>>, vector<64x128xf32>,
    } else {
    }
    return
  }
  func.func @transform_0(%arg0: i32) -> (i32, i32) {
    %c0_i32 = arith.constant 0 : i32
    %c0_i32_0 = arith.constant 0 : i32
    return %arg0, %c0_i32 : i32, i32
  }
  func.func @transform_1(%arg0: i32) -> (i32, i32, i32) {
    %c0_i32 = arith.constant 0 : i32
    %c0_i32_0 = arith.constant 0 : i32
    %c0_i32_1 = arith.constant 0 : i32
    return %c0_i32, %arg0, %c0_i32_0 : i32, i32, i32
  }
  func.func @transform_2(%arg0: i32) -> (i32, i32) {
    %c0_i32 = arith.constant 0 : i32
    %c0_i32_0 = arith.constant 0 : i32
    %c0_i32_1 = arith.constant 0 : i32
    return %c0_i32, %c0_i32_0 : i32, i32
  }
  func.func @transform_3(%arg0: i32) -> (i32, i32) {
    %c0_i32 = arith.constant 0 : i32
    %c0_i32_0 = arith.constant 0 : i32
    %c0_i32_1 = arith.constant 0 : i32
    return %c0_i32, %c0_i32_0 : i32, i32
  }
  func.func @transform_4(%arg0: i32) -> (i32, i32) {
    %c0_i32 = arith.constant 0 : i32
    %c0_i32_0 = arith.constant 0 : i32
    %c0_i32_1 = arith.constant 0 : i32
    return %c0_i32, %c0_i32_0 : i32, i32
  }
  func.func @transform_5(%arg0: i32) -> (i32, i32) {
    %c0_i32 = arith.constant 0 : i32
    %c0_i32_0 = arith.constant 0 : i32
    %c0_i32_1 = arith.constant 0 : i32
    return %c0_i32, %c0_i32_0 : i32, i32
  }
  func.func @transform_6(%arg0: i32) -> (i32, i32, i32) {
    %c0_i32 = arith.constant 0 : i32
    %c0_i32_0 = arith.constant 0 : i32
    %c0_i32_1 = arith.constant 0 : i32
    return %arg0, %c0_i32, %c0_i32_0 : i32, i32, i32
  }
  func.func @transform_7(%arg0: i32) -> (i32, i32) {
    %c0_i32 = arith.constant 0 : i32
    %c0_i32_0 = arith.constant 0 : i32
    %c0_i32_1 = arith.constant 0 : i32
    return %c0_i32, %c0_i32_0 : i32, i32
  }
}

</mosaic_0001>

<sc_bundles>
// kernel: kernel.11.cloned.1.call-start
scs
__scs_entry_jumppad:
0x0: {  	(pc) =	sbr.rel $0x88, $3  }
0x1: {  	(tag) =	ssettag $0x0;
	lr =	simm.s32 $0x1  }
0x2: {  	[smem:$0x3F92] =	sst lr;
	_ =	strace $0xD0000000  }
0x3: {  	_ = 	snop  }
0x4: {  	_ = 	snop  }
0x5: {  	_ = 	snop  }
0x6: {  	_ = 	snop  }
0x7: {  	_ = 	snop  }
__scs_overlays_trampoline_lowered:
0x8: {  	[smem:$0x3FA1] =	sst s0  }
0x9: {  	[smem:$0x3FA2] =	sst s1  }
0xa: {  	[smem:$0x3FA3] =	sst s2  }
0xb: {  	[smem:$0x3FA4] =	sst s3  }
0xc: {  	[smem:$0x3FA5] =	sst s4  }
0xd: {  	[smem:$0x3FA6] =	sst s5  }
0xe: {  	[smem:$0x3FA7] =	sst s6  }
0xf: {  	[smem:$0x3FA8] =	sst s7  }
0x10: {  	[smem:$0x3FA9] =	sst s8  }
0x11: {  	[smem:$0x3FAA] =	sst s9;
	s0 =	simm.s32 @!p0 $0x0  }
0x12: {  	s1 =	sld [smem:$0x3F90];
	s0 =	simm.s32 @p0 $0x1  }
0x13: {  	[smem:$0x3FAB] =	sst s0;
	s0 =	simm.s32 @!p1 $0x0  }
0x14: {  	s2 =	sld [smem:$0x3F8F];
	s0 =	simm.s32 @p1 $0x1  }
0x15: {  	[smem:$0x3FAC] =	sst s0;
	s0 =	simm.s32 @!p2 $0x0  }
0x16: {  	s3 =	sld [smem:$0x3FDB];
	s0 =	simm.s32 @p2 $0x1  }
0x17: {  	s4 =	simm.s32 $0x1BF5;
	[smem:$0x3FAE] =	sst s0  }
0x18: {  	s0 =	sld [smem:$0x3F91];
	_ =	swait.ge [sflag:s4], $0x0  }
0x19: {  	s7 =	sld [smem:$0x3F92]  }
0x1a: {  	s8 =	sadd.s32 $0xFFFFE003, lr  }
0x1b: {  	s9 =	sadd.s32 $0xFFFFFEF7, lr;
	s5 =	simm.s32 $0xFFFFFFFF;
	p2 =	slt.u32 s8, $0xFFFFF086  }
0x1c: {  	p1 =	slt.u32 s9, $0xF7A;
	s5 =	simm.s32 @!p2 $0x0  }
0x1d: {  	s5 =	simm.s32 @p1 $0x1;
	p0 =	seq.s32 s7, s2  }
0x1e: {  	s7 =	smul.u32 @!p0 $0xF7A, s2;
	p2 =	seq.s32 @!p0 s5, $0x0  }
0x1f: {  	s9 =	smul.u32 $0xF7A, s1;
	s8 =	simm.s32 @!p0 $0x1BF5;
	p2 =	por !p2, p0  }
0x20: {  	[sflag:s8] =	ssyncset.s32 @!p0 $0xFFFFF086;
	s6 =	sadd.s32 @!p0 s3, s7;
	s7 =	simm.s32 @!p0 $0x108  }
0x21: {  	s3 =	sadd.s32 s3, s9;
	s6 =	sadd.s32 @!p0 $0x88, s6;
	s7 =	simm.s32 @p2 $0x1082  }
0x22: {  	[simem:s7], [sflag:s8] =	dma.local @!p0 [hbm:s6], $0xF7A  }
0x23: {  	s9 =	sor.u32 $0xD0000000, s2;
	s6 =	simm.s32 $0x108;
	_ =	swait.ge @!p0 [sflag:s8], $0x0  }
0x24: {  	s3 =	sadd.s32 $0x88, s3;
	s6 =	simm.s32 @!p1 $0x1082;
	[sflag:s4] =	ssyncset.s32 $0xFFFFF086  }
0x25: {  	[simem:s6], [sflag:s4] =	dma.local [hbm:s3], $0xF7A  }
0x26: {  	[smem:$0x3F92] =	sst s1;
	(tag) =	ssettag s2;
	_ =	strace s9  }
0x27: {  	s1 =	sld [smem:$0x3FA2]  }
0x28: {  	s2 =	sld [smem:$0x3FA3]  }
0x29: {  	s4 =	sld [smem:$0x3FA5]  }
0x2a: {  	p0 =	seq.s32 s5, $0x0;
	s5 =	sld [smem:$0x3FA6]  }
0x2b: {  	s6 =	sld [smem:$0x3FA7]  }
0x2c: {  	s7 =	sld [smem:$0x3FA8]  }
0x2d: {  	s3 =	simm.s32 $0x108;
	s8 =	sld [smem:$0x3FA9]  }
0x2e: {  	s3 =	simm.s32 @!p0 $0x1082;
	s9 =	sld [smem:$0x3FAA]  }
0x2f: {  	lr =	sadd.s32 s0, s3;
	s0 =	sld [smem:$0x3FA1]  }
0x30: {  	s3 =	sld [smem:$0x3FA4]  }
0x31: {  	[smem:$0x3FAD] =	sst s10  }
0x32: {  	s10 =	sld [smem:$0x3FAB];
	_ =	sdelay $0x3  }
0x33: {  	p0 =	seq.s32 s10, $0x1;
	s10 =	sld [smem:$0x3FAD];
	_ =	sdelay $0x3  }
0x34: {  	[smem:$0x3FAD] =	sst s10  }
0x35: {  	s10 =	sld [smem:$0x3FAC];
	_ =	sdelay $0x3  }
0x36: {  	p1 =	seq.s32 s10, $0x1;
	s10 =	sld [smem:$0x3FAD];
	_ =	sdelay $0x3  }
0x37: {  	[smem:$0x3FAD] =	sst s10  }
0x38: {  	s10 =	sld [smem:$0x3FAE]  }
0x39: {  	_ = 	snop;
	(pc) =	sbr.ind lr, $3  }
0x3a: {  	_ = 	snop  }
0x3b: {  	_ = 	snop  }
0x3c: {  	p2 =	seq.s32 s10, $0x1;
	s10 =	sld [smem:$0x3FAD]  }
0x3d: {  	_ =	shalt  }
0x3e: {  	_ =	shalt  }
0x3f: {  	_ =	shalt  }
0x40: {  	_ =	shalt  }
0x41: {  	_ =	shalt  }
0x42: {  	_ =	shalt  }
0x43: {  	_ =	shalt  }
0x44: {  	_ =	shalt  }
0x45: {  	_ =	shalt  }
0x46: {  	_ =	shalt  }
0x47: {  	_ =	shalt  }
0x48: {  	_ =	shalt  }
0x49: {  	_ =	shalt  }
0x4a: {  	_ =	shalt  }
0x4b: {  	_ =	shalt  }
0x4c: {  	_ =	shalt  }
0x4d: {  	_ =	shalt  }
0x4e: {  	_ =	shalt  }
0x4f: {  	_ =	shalt  }
0x50: {  	_ =	shalt  }
0x51: {  	_ =	shalt  }
0x52: {  	_ =	shalt  }
0x53: {  	_ =	shalt  }
0x54: {  	_ =	shalt  }
0x55: {  	_ =	shalt  }
0x56: {  	_ =	shalt  }
0x57: {  	_ =	shalt  }
0x58: {  	_ =	shalt  }
0x59: {  	_ =	shalt  }
0x5a: {  	_ =	shalt  }
0x5b: {  	_ =	shalt  }
0x5c: {  	_ =	shalt  }
0x5d: {  	_ =	shalt  }
0x5e: {  	_ =	shalt  }
0x5f: {  	_ =	shalt  }
0x60: {  	_ =	shalt  }
0x61: {  	_ =	shalt  }
0x62: {  	_ =	shalt  }
0x63: {  	_ =	shalt  }
0x64: {  	_ =	shalt  }
0x65: {  	_ =	shalt  }
0x66: {  	_ =	shalt  }
0x67: {  	_ =	shalt  }
0x68: {  	_ =	shalt  }
0x69: {  	_ =	shalt  }
0x6a: {  	_ =	shalt  }
0x6b: {  	_ =	shalt  }
0x6c: {  	_ =	shalt  }
0x6d: {  	_ =	shalt  }
0x6e: {  	_ =	shalt  }
0x6f: {  	_ =	shalt  }
0x70: {  	_ =	shalt  }
0x71: {  	_ =	shalt  }
0x72: {  	_ =	shalt  }
0x73: {  	_ =	shalt  }
0x74: {  	_ =	shalt  }
0x75: {  	_ =	shalt  }
0x76: {  	_ =	shalt  }
0x77: {  	_ =	shalt  }
0x78: {  	_ =	shalt  }
0x79: {  	_ =	shalt  }
0x7a: {  	_ =	shalt  }
0x7b: {  	_ =	shalt  }
0x7c: {  	_ =	shalt  }
0x7d: {  	_ =	shalt  }
0x7e: {  	_ =	shalt  }
0x7f: {  	_ =	shalt  }
0x80: {  	_ =	shalt  }
0x81: {  	_ =	shalt  }
0x82: {  	_ =	shalt  }
0x83: {  	_ =	shalt  }
0x84: {  	_ =	shalt  }
0x85: {  	_ =	shalt  }
0x86: {  	_ =	shalt  }
0x87: {  	_ =	shalt  }
.Lfunc_end0:
.L_simem_size_0:
called_computation.1_lowered:
.L_overlay_start_0:
0x88: {  	s2 =	sld [smem:$0x3FD9]  }
0x89: {  	s3 =	sld [smem:$0x3FFE];
	_ =	sdelay $0x1  }
0x8a: {  	s1 =	srdreg.scid  }
0x8b: {  	s0 =	sand.u32 $0x1, s1  }
0x8c: {  	s16 =	sshll.u32 s0, $0xA;
	s2 =	sadd.s32 s3, s2  }
0x8d: {  	s2 =	sadd.s32 s2, s16  }
0x8e: {  	[smem:$0x3FB9] =	sst s2  }
0x8f: {  	_ = 	snop  }
0x90: {  	(tm) =	ssettm $0x1  }
0x91: {  	s17 =	sld [smem:$0x3FFB];
	_ =	sdelay $0x3  }
0x92: {  	_ =	strace s17  }
0x93: {  	s2 =	sld [smem:$0x3FFC];
	_ =	sdelay $0x3  }
0x94: {  	_ =	strace s2  }
0x95: {  	s2 =	sld [smem:$0x3FFD];
	_ =	sdelay $0x3  }
0x96: {  	_ =	strace s2  }
0x97: {  	_ =	strace $0x8FFFFFFF  }
0x98: {  	s18 =	sld [smem:$0x3FDB];
	_ =	sdelay $0x1  }
0x99: {  	s19 =	simm.s32 $_scs_section_size  }
0x9a: {  	s4 =	simm.s32 $_size__tile_overlayer_lowered;
	s5 =	simm.s32 $_tile_overlayer_lowered  }
0x9b: {  	s22 =	simm.s32 $0x1BFF;
	s21 =	sshll.u32 s5, $0x1;
	s2 =	sadd.s32 s19, s18  }
0x9c: {  	s6 =	simm.s32 $0x0;
	s20 =	sshll.u32 s4, $0x1;
	s4 =	sadd.s32 s21, s2  }
0x9d: {  	[timem:s6], [sflag:s22] =	dma.local [hbm:s4], s20  }
0x9e: {  	_ =	swait.ge [sflag:s22], s20  }
0x9f: {  	s3 =	ssub.s32 $0x0, s20;
	[sflag:s22] =	ssyncset.done $0x0  }
0xa0: {  	[sflag:s22] =	ssyncadd.s32 s3;
	_ =	sdelay $0x1  }
0xa1: {  	s23 =	simm.s32 $0x1B8B  }
0xa2: {  	_ =	swait.ge [sflag:s23], $0x1  }
0xa3: {  	[sflag:s23] =	ssyncset.done $0x0  }
0xa4: {  	s25 =	simm.s32 $0x1B8E;
	s24 =	sld [smem:$0x3FFE];
	[sflag:s23] =	ssyncadd.s32 $0xFFFFFFFF  }
0xa5: {  	s26 =	simm.s32 $execute0_lowered;
	[smem:$0x3FD2] =	sst s25  }
0xa6: {  	s4 =	sshll.u32 s26, $0x1;
	_ =	strace $0x80000049;
	[dreg:$0x1] =	wrdreg $0xFFFFFFFF  }
0xa7: {  	s28 =	simm.s32 $_size_execute0_lowered;
	s2 =	sadd.s32 s2, s4;
	[dreg:$0x0] =	wrdreg $0x0  }
0xa8: {  	s4 =	sshll.u32 s28, $0x1;
	[dreg:$0x2] =	wrdreg s2  }
0xa9: {  	[dreg:$0x3] =	wrdreg s4  }
0xaa: {  	[dreg:$0x4] =	wrdreg $0xC0  }
0xab: {  	_ =	task [dreg:s6], $0x5FFFF  }
0xac: {  	[dreg:$0x1] =	wrdreg $0xFFFFFFFF  }
0xad: {  	[dreg:$0x0] =	wrdreg $0x60  }
0xae: {  	[dreg:$0x2] =	wrdreg s24  }
0xaf: {  	[dreg:$0x3] =	wrdreg $0xB4000  }
0xb0: {  	[dreg:$0x4] =	wrdreg $0x9  }
0xb1: {  	_ =	task.clear_ibuf [dreg:s6], $0x5FFFF;
	_ =	strace $0x90000049  }
0xb2: {  	s29 =	simm.s32 $0x9;
	_ =	strace $0x8000004B  }
0xb3: {  	_ =	swait.ge [sflag:s29], $0x1  }
0xb4: {  	[sflag:s29] =	ssyncadd.s32 $0xFFFFFFFF  }
0xb5: {  	_ =	strace $0x9000004B  }
0xb6: {  	_ =	sfence  }
0xb7: {  	s30 =	sld [smem:$0x0];
	_ =	sdelay $0x2  }
0xb8: {  	s31 =	sshll.u32 s1, $0xD;
	s1 =	sshrl.u32 s1, $0x2  }
0xb9: {  	s3 =	sand.u32 $0x4000, s31;
	s1 =	sadd.s32 s1, s30  }
0xba: {  	s0 =	sor.u32 s3, s0;
	s1 =	sshll.u32 s1, $0x11  }
0xbb: {  	s0 =	sor.u32 s1, s0  }
0xbc: {  	s0 =	sadd.s32 $0x8F2B, s0  }
0xbd: {  	[sflag:s0] =	ssyncadd.remote.s32 $0x1  }
0xbe: {  	_ =	sfence.sel $0xFFFF  }
0xbf: {  	[dreg:$0x0] =	wrdreg $0xFFFFFFFF;
	(pc) =	sbr.abs _section_cstart, $3  }
0xc0: {  	[dreg:$0x1] =	wrdreg $0xFFFFFFFF  }
0xc1: {  	_ =	task.clear_ibuf [dreg:s6], $0x2FFFF;
	_ =	strace $0x9FFFFFFF  }
0xc2: {  	(tm) =	ssettm $0x7FFFFFFF  }
0xc3: {  	_ =	shalt  }
tec
execute0_lowered:
.L_overlay_start_1:
0x0: {  	(tag) =	ssettag $0x1  }
0x1: {  	s1 =	srdreg.scid;
	s8 =	rddreg [dreg:$0x0]  }
0x2: {  	s0 =	stileid.u32;
	s2 =	rddreg [dreg:$0x1]  }
0x3: {  	s4 =	simm.s32 $0x0;
	s17 =	simm.s32 $0x2C00;
	s18 =	simm.s32 $0x3400  }
0x4: {  	s19 =	simm.s32 $0x80;
	s20 =	simm.s32 $0x4;
	s21 =	simm.s32 $0x0  }
0x5: {  	s7 =	sand.u32 $0x1, s1;
	s26 =	sshll.u32 s0, $0x1;
	[smem:$0x7FF] =	sst s4  }
0x6: {  	s10 =	smul.u32 $0x13C00, s0;
	s5 =	sadd.s32 $0x17C00, s8;
	s6 =	sadd.s32 $0x3C00, s8  }
0x7: {  	s13 =	smul.u32 $0x4F000, s0;
	s31 =	sshll.u32 s0, $0x6;
	s1 =	sor.u32 s7, s26  }
0x8: {  	s9 =	smul.u32 $0x140000, s7;
	s28 =	ssub.s32 $0x2, s7;
	s7 =	sadd.s32 $0x3FC00, s8  }
0x9: {  	s3 =	smul.u32 $0x2800, s1;
	s1 =	rddreg [dreg:$0x2];
	_ =	strace $0x8000004A  }
0xa: {  	s29 =	sshrl.u32 s28, $0x1;
	s30 =	sshrl.u32 s13, $0x2;
	s9 =	sadd.s32 s10, s9  }
0xb: {  	s15 =	ssub.s32 s28, s29;
	s16 =	sadd.s32 s30, s2;
	s11 =	sshrl.u32 s3, $0x3  }
0xc: {  	s9 =	sshrl.u32 s9, $0x3;
	s13 =	smax.u32 s15, $0x1;
	s15 =	simm.s32 $0x8  }
0xd: {  	s12 =	sadd.s32 s11, s8;
	s14 =	sadd.s32 s9, s8;
	s9 =	sadd.s32 s6, s11  }
0xe: {  	s8 =	sor.u32 $0x1C08, s31;
	s10 =	sadd.s32 $0xDC00, s12;
	s11 =	sadd.s32 $0x80, s9  }
0xf: {  	s12 =	sadd.s32 $0x42400, s14;
	s14 =	sshrl.u32 s16, $0x3;
	s16 =	simm.s32 $0x2800  }
.LBB2_1:
0x10: {  	[spmem:s14], [sflag:s8] =	dma.local [hbm:s7], $0x2780  }
0x11: {  	_ =	swait.ge [sflag:s15], $0x2780  }
0x12: {  	[sflag:s15] =	ssyncset.done $0x0  }
0x13: {  	[sflag:s15] =	ssyncadd.s32 $0xFFFFD880  }
0x14: {  	[tilespmem:s4], [sflag:$0x8] =	stream.linear.gather [hbm4b:s10+s4], $0x2800, $0x38;
	[tilespmem:$0x1F000] =	vst v63  }
0x15: {  	_ =	swait.ge [sflag:s15], $0x2800  }
0x16: {  	[sflag:s15] =	ssyncset.done $0x0  }
0x17: {  	[sflag:s15] =	ssyncadd.s32 $0xFFFFD800  }
0x18: {  	[tilespmem:s16], [sflag:$0x5] =	stream.linear.gather [hbm4b:s9+s4], $0x400, $0x38;
	[tilespmem:$0x1F000] =	vst v63  }
0x19: {  	_ = 	snop  }
0x1a: {  	[tilespmem:s17], [sflag:$0x6] =	stream.linear.gather [hbm4b:s11+s4], $0x400, $0x38;
	[tilespmem:$0x1F000] =	vst v63  }
0x1b: {  	s22 =	simm.s32 $0x80;
	s23 =	simm.s32 $0x0;
	[bflag:$0x0] =	sbarrier.arrive $0xFFFF  }
0x1c: {  	[tilespmem:s18], [sflag:$0x1] =	stream.indirect.gather [hbm4b:s5+s19], $0x80, s4, s19, $0xb8;
	[tilespmem:$0x1F000] =	vst v63  }
.LBB2_2:
0x1d: {  	s24 =	sshrl.u32 s23, $0x3  }
0x1e: {  	s25 =	smul.u32 $0xAB, s24;
	_ =	sdelay $0x1  }
0x1f: {  	s25 =	sshrl.u32 s25, $0x9  }
0x20: {  	s25 =	sand.u32 $0x7F, s25  }
0x21: {  	s25 =	smul.u32 $0x3, s25;
	_ =	sdelay $0x1  }
0x22: {  	s26 =	sand.u32 $0x7, s23;
	s25 =	ssub.s32 s24, s25  }
0x23: {  	p0 =	sne.s32 s26, $0x0;
	s25 =	sand.u32 $0xFF, s25  }
0x24: {  	s28 =	sadd.s32 @!p0 $0x5, s25  }
0x25: {  	s29 =	sand.u32 $0x1, s23;
	_ =	swait.ge @!p0 [sflag:s28], $0x400  }
0x26: {  	s30 =	sadd.s32 $0x1, s29;
	[sflag:s28] =	ssyncset.done @!p0 $0x0  }
0x27: {  	s26 =	sshll.u32 s26, $0x7;
	s25 =	sshll.u32 s25, $0xA;
	[sflag:s28] =	ssyncadd.s32 @!p0 $0xFFFFFC00  }
0x28: {  	s31 =	sshll.u32 s29, $0xE;
	s25 =	sor.u32 s26, s25;
	_ =	swait.ge [sflag:s30], $0x4000  }
0x29: {  	s25 =	sadd.s32 $0x2800, s25;
	s28 =	sor.u32 $0x3400, s31;
	[sflag:s30] =	ssyncset.done $0x0  }
0x2a: {  	s31 =	sadd.s32 $0x3, s29;
	p0 =	seq.s32 s23, $0x0;
	[sflag:s30] =	ssyncadd.s32 $0xFFFFC000  }
0x2b: {  	[spmem:s2] =	stream.indirect.scatter.add.f32 [tilespmem:s28], [sflag:s31], $0x80, s25, s19, $0xb8;
	[tilespmem:$0x1F000] =	vst v63  }
0x2c: {  	s26 =	sand.u32 @!p0 $0x47, s23;
	s25 =	sxor.u32 @!p0 $0x1, s29  }
0x2d: {  	p1 =	sne.s32 @!p0 s26, $0x0;
	s25 =	sadd.s32 @!p0 $0x3, s25  }
0x2e: {  	p1 =	por p0, !p1;
	_ =	swait.ge @!p0 [sflag:s25], $0x4000  }
0x2f: {  	s24 =	sadd.s32 @p1 $0x2, s24;
	[sflag:s25] =	ssyncset.done @!p0 $0x0  }
0x30: {  	[sflag:s25] =	ssyncadd.s32 @!p0 $0xFFFFC000;
	s25 =	smul.u32 @p1 $0xAB, s24;
	_ =	sdelay $0x1  }
0x31: {  	s25 =	sshrl.u32 @p1 s25, $0x9  }
0x32: {  	s25 =	sand.u32 @p1 $0x7F, s25  }
0x33: {  	s25 =	smul.u32 @p1 $0x3, s25;
	_ =	sdelay $0x1  }
0x34: {  	s26 =	sshll.u32 @p1 s24, $0xA;
	s24 =	ssub.s32 @p1 s24, s25  }
0x35: {  	p0 =	seq.s32 s23, $0x4F;
	s25 =	sadd.s32 @p1 s3, s26;
	s24 =	sand.u32 @p1 $0xFF, s24  }
0x36: {  	s23 =	sadd.s32 @!p0 $0x1, s23;
	s25 =	sshrl.u32 @p1 s25, $0x3;
	s26 =	sshll.u32 @p1 s24, $0xA  }
0x37: {  	s24 =	sadd.s32 @p1 $0x5, s24;
	s25 =	sadd.s32 @p1 s6, s25;
	s26 =	sadd.s32 @p1 $0x2800, s26  }
0x38: {  	[tilespmem:s26], [sflag:s24] =	stream.linear.gather @p1 [hbm4b:s25+s4], $0x400, $0x38;
	[tilespmem:$0x1F000] =	vst v63  }
0x39: {  	p1 =	sne.s32 @!p0 s23, $0x50  }
0x3a: {  	p1 =	por p0, !p1  }
.Ltmp0:
0x3b: {  	s24 =	sand.u32 @!p0 $0x1, s23;
	(pc) =	sbr.rel @!p1 .LBB2_2-.Ltmp0, $4  }
0x3c: {  	s25 =	sshll.u32 @!p0 s24, $0xE  }
0x3d: {  	s26 =	simm.s32 @!p0 $0x80;
	s24 =	sadd.s32 @!p0 $0x1, s24;
	s25 =	sor.u32 @!p0 $0x3400, s25  }
0x3e: {  	[tilespmem:s25], [sflag:s24] =	stream.indirect.gather @!p0 [hbm4b:s5+s26], $0x80, s22, s26, $0xb8;
	[tilespmem:$0x1F000] =	vst v63  }
0x3f: {  	s22 =	sadd.s32 @!p0 $0x80, s22  }
0x40: {  	_ =	swait.ge [sflag:s20], $0x4000  }
0x41: {  	s21 =	sadd.s32 $0x1, s21;
	[sflag:s20] =	ssyncset.done $0x0  }
0x42: {  	p0 =	sne.s32 s21, s13;
	[sflag:s20] =	ssyncadd.s32 $0xFFFFC000  }
.Ltmp1:
0x43: {  	[bflag:$0x0] =	sbarrier.arrive $0xFFFF;
	(pc) =	sbr.rel @p0 .LBB2_1-.Ltmp1, $4  }
0x44: {  	[hbm:s12], [sflag:s8] =	dma.local [spmem:s14], $0x2780  }
0x45: {  	_ =	swait.ge [sflag:s15], $0x2780  }
0x46: {  	[sflag:s15] =	ssyncset.done $0x0  }
0x47: {  	[sflag:s15] =	ssyncadd.s32 $0xFFFFD880  }
0x48: {  	_ =	sfence.sel $0x180000  }
0x49: {  	[bflag:$0x0] =	sbarrier.arrive $0xFFFF  }
0x4a: {  	p0 =	sne.s32 s0, $0x0;
	_ =	strace $0x9000004A  }
0x4b: {  	s0 =	sadd.s32 @!p0 $0x100000, s1;
	[bflag:$0x2] =	sbarrier.arrive $0xFFFF  }
0x4c: {  	[sflag:s0] =	ssyncadd.tile.s32 @!p0 $0x1;
	_ =	shalt  }
.Lfunc_end2:
_tile_overlayer_lowered:
.L_overlay_start_2:
0x4d: {  	(tag) =	ssettag $0x2  }
0x4e: {  	s0 =	rddreg [dreg:$0x0];
	s2 =	stileid.u32  }
0x4f: {  	s1 =	rddreg [dreg:$0x1];
	p0 =	sne.s32 s2, $0x0  }
0x50: {  	s3 =	rddreg [dreg:$0x2];
	[bflag:$0x3] =	sbarrier.arrive $0xFFFF;
	s2 =	simm.s32 @!p0 $0x1C08  }
0x51: {  	[timem:s3], [sflag:s2] =	dma.local @!p0 [hbm:s0], s1  }
0x52: {  	s0 =	simm.s32 @!p0 $0x8  }
0x53: {  	_ =	swait.ge @!p0 [sflag:s0], s1  }
0x54: {  	s1 =	ssub.s32 @!p0 $0x0, s1;
	[sflag:s0] =	ssyncset.done @!p0 $0x0  }
0x55: {  	[sflag:s0] =	ssyncadd.s32 @!p0 s1  }
0x56: {  	[bflag:$0x3] =	sbarrier.arrive $0xFFFF  }
0x57: {  	_ =	shalt  }

// kernel: kernel.14.cloned.1.call-start
scs
__scs_entry_jumppad:
0x0: {  	(pc) =	sbr.rel $0x88, $3  }
0x1: {  	(tag) =	ssettag $0x0;
	lr =	simm.s32 $0x1  }
0x2: {  	[smem:$0x3F92] =	sst lr;
	_ =	strace $0xD0000000  }
0x3: {  	_ = 	snop  }
0x4: {  	_ = 	snop  }
0x5: {  	_ = 	snop  }
0x6: {  	_ = 	snop  }
0x7: {  	_ = 	snop  }
__scs_overlays_trampoline_lowered:
0x8: {  	[smem:$0x3FA1] =	sst s0  }
0x9: {  	[smem:$0x3FA2] =	sst s1  }
0xa: {  	[smem:$0x3FA3] =	sst s2  }
0xb: {  	[smem:$0x3FA4] =	sst s3  }
0xc: {  	[smem:$0x3FA5] =	sst s4  }
0xd: {  	[smem:$0x3FA6] =	sst s5  }
0xe: {  	[smem:$0x3FA7] =	sst s6  }
0xf: {  	[smem:$0x3FA8] =	sst s7  }
0x10: {  	[smem:$0x3FA9] =	sst s8  }
0x11: {  	[smem:$0x3FAA] =	sst s9;
	s0 =	simm.s32 @!p0 $0x0  }
0x12: {  	s1 =	sld [smem:$0x3F90];
	s0 =	simm.s32 @p0 $0x1  }
0x13: {  	[smem:$0x3FAB] =	sst s0;
	s0 =	simm.s32 @!p1 $0x0  }
0x14: {  	s2 =	sld [smem:$0x3F8F];
	s0 =	simm.s32 @p1 $0x1  }
0x15: {  	[smem:$0x3FAC] =	sst s0;
	s0 =	simm.s32 @!p2 $0x0  }
0x16: {  	s3 =	sld [smem:$0x3FDB];
	s0 =	simm.s32 @p2 $0x1  }
0x17: {  	s4 =	simm.s32 $0x1BF5;
	[smem:$0x3FAE] =	sst s0  }
0x18: {  	s0 =	sld [smem:$0x3F91];
	_ =	swait.ge [sflag:s4], $0x0  }
0x19: {  	s7 =	sld [smem:$0x3F92]  }
0x1a: {  	s8 =	sadd.s32 $0xFFFFE003, lr  }
0x1b: {  	s9 =	sadd.s32 $0xFFFFFEF7, lr;
	s5 =	simm.s32 $0xFFFFFFFF;
	p2 =	slt.u32 s8, $0xFFFFF086  }
0x1c: {  	p1 =	slt.u32 s9, $0xF7A;
	s5 =	simm.s32 @!p2 $0x0  }
0x1d: {  	s5 =	simm.s32 @p1 $0x1;
	p0 =	seq.s32 s7, s2  }
0x1e: {  	s7 =	smul.u32 @!p0 $0xF7A, s2;
	p2 =	seq.s32 @!p0 s5, $0x0  }
0x1f: {  	s9 =	smul.u32 $0xF7A, s1;
	s8 =	simm.s32 @!p0 $0x1BF5;
	p2 =	por !p2, p0  }
0x20: {  	[sflag:s8] =	ssyncset.s32 @!p0 $0xFFFFF086;
	s6 =	sadd.s32 @!p0 s3, s7;
	s7 =	simm.s32 @!p0 $0x108  }
0x21: {  	s3 =	sadd.s32 s3, s9;
	s6 =	sadd.s32 @!p0 $0x88, s6;
	s7 =	simm.s32 @p2 $0x1082  }
0x22: {  	[simem:s7], [sflag:s8] =	dma.local @!p0 [hbm:s6], $0xF7A  }
0x23: {  	s9 =	sor.u32 $0xD0000000, s2;
	s6 =	simm.s32 $0x108;
	_ =	swait.ge @!p0 [sflag:s8], $0x0  }
0x24: {  	s3 =	sadd.s32 $0x88, s3;
	s6 =	simm.s32 @!p1 $0x1082;
	[sflag:s4] =	ssyncset.s32 $0xFFFFF086  }
0x25: {  	[simem:s6], [sflag:s4] =	dma.local [hbm:s3], $0xF7A  }
0x26: {  	[smem:$0x3F92] =	sst s1;
	(tag) =	ssettag s2;
	_ =	strace s9  }
0x27: {  	s1 =	sld [smem:$0x3FA2]  }
0x28: {  	s2 =	sld [smem:$0x3FA3]  }
0x29: {  	s4 =	sld [smem:$0x3FA5]  }
0x2a: {  	p0 =	seq.s32 s5, $0x0;
	s5 =	sld [smem:$0x3FA6]  }
0x2b: {  	s6 =	sld [smem:$0x3FA7]  }
0x2c: {  	s7 =	sld [smem:$0x3FA8]  }
0x2d: {  	s3 =	simm.s32 $0x108;
	s8 =	sld [smem:$0x3FA9]  }
0x2e: {  	s3 =	simm.s32 @!p0 $0x1082;
	s9 =	sld [smem:$0x3FAA]  }
0x2f: {  	lr =	sadd.s32 s0, s3;
	s0 =	sld [smem:$0x3FA1]  }
0x30: {  	s3 =	sld [smem:$0x3FA4]  }
0x31: {  	[smem:$0x3FAD] =	sst s10  }
0x32: {  	s10 =	sld [smem:$0x3FAB];
	_ =	sdelay $0x3  }
0x33: {  	p0 =	seq.s32 s10, $0x1;
	s10 =	sld [smem:$0x3FAD];
	_ =	sdelay $0x3  }
0x34: {  	[smem:$0x3FAD] =	sst s10  }
0x35: {  	s10 =	sld [smem:$0x3FAC];
	_ =	sdelay $0x3  }
0x36: {  	p1 =	seq.s32 s10, $0x1;
	s10 =	sld [smem:$0x3FAD];
	_ =	sdelay $0x3  }
0x37: {  	[smem:$0x3FAD] =	sst s10  }
0x38: {  	s10 =	sld [smem:$0x3FAE]  }
0x39: {  	_ = 	snop;
	(pc) =	sbr.ind lr, $3  }
0x3a: {  	_ = 	snop  }
0x3b: {  	_ = 	snop  }
0x3c: {  	p2 =	seq.s32 s10, $0x1;
	s10 =	sld [smem:$0x3FAD]  }
0x3d: {  	_ =	shalt  }
0x3e: {  	_ =	shalt  }
0x3f: {  	_ =	shalt  }
0x40: {  	_ =	shalt  }
0x41: {  	_ =	shalt  }
0x42: {  	_ =	shalt  }
0x43: {  	_ =	shalt  }
0x44: {  	_ =	shalt  }
0x45: {  	_ =	shalt  }
0x46: {  	_ =	shalt  }
0x47: {  	_ =	shalt  }
0x48: {  	_ =	shalt  }
0x49: {  	_ =	shalt  }
0x4a: {  	_ =	shalt  }
0x4b: {  	_ =	shalt  }
0x4c: {  	_ =	shalt  }
0x4d: {  	_ =	shalt  }
0x4e: {  	_ =	shalt  }
0x4f: {  	_ =	shalt  }
0x50: {  	_ =	shalt  }
0x51: {  	_ =	shalt  }
0x52: {  	_ =	shalt  }
0x53: {  	_ =	shalt  }
0x54: {  	_ =	shalt  }
0x55: {  	_ =	shalt  }
0x56: {  	_ =	shalt  }
0x57: {  	_ =	shalt  }
0x58: {  	_ =	shalt  }
0x59: {  	_ =	shalt  }
0x5a: {  	_ =	shalt  }
0x5b: {  	_ =	shalt  }
0x5c: {  	_ =	shalt  }
0x5d: {  	_ =	shalt  }
0x5e: {  	_ =	shalt  }
0x5f: {  	_ =	shalt  }
0x60: {  	_ =	shalt  }
0x61: {  	_ =	shalt  }
0x62: {  	_ =	shalt  }
0x63: {  	_ =	shalt  }
0x64: {  	_ =	shalt  }
0x65: {  	_ =	shalt  }
0x66: {  	_ =	shalt  }
0x67: {  	_ =	shalt  }
0x68: {  	_ =	shalt  }
0x69: {  	_ =	shalt  }
0x6a: {  	_ =	shalt  }
0x6b: {  	_ =	shalt  }
0x6c: {  	_ =	shalt  }
0x6d: {  	_ =	shalt  }
0x6e: {  	_ =	shalt  }
0x6f: {  	_ =	shalt  }
0x70: {  	_ =	shalt  }
0x71: {  	_ =	shalt  }
0x72: {  	_ =	shalt  }
0x73: {  	_ =	shalt  }
0x74: {  	_ =	shalt  }
0x75: {  	_ =	shalt  }
0x76: {  	_ =	shalt  }
0x77: {  	_ =	shalt  }
0x78: {  	_ =	shalt  }
0x79: {  	_ =	shalt  }
0x7a: {  	_ =	shalt  }
0x7b: {  	_ =	shalt  }
0x7c: {  	_ =	shalt  }
0x7d: {  	_ =	shalt  }
0x7e: {  	_ =	shalt  }
0x7f: {  	_ =	shalt  }
0x80: {  	_ =	shalt  }
0x81: {  	_ =	shalt  }
0x82: {  	_ =	shalt  }
0x83: {  	_ =	shalt  }
0x84: {  	_ =	shalt  }
0x85: {  	_ =	shalt  }
0x86: {  	_ =	shalt  }
0x87: {  	_ =	shalt  }
.Lfunc_end0:
.L_simem_size_0:
called_computation.2_lowered:
.L_overlay_start_0:
0x88: {  	s2 =	sld [smem:$0x3FD9]  }
0x89: {  	s3 =	sld [smem:$0x3FFE];
	_ =	sdelay $0x1  }
0x8a: {  	s1 =	srdreg.scid  }
0x8b: {  	s0 =	sand.u32 $0x1, s1  }
0x8c: {  	s16 =	sshll.u32 s0, $0xA;
	s2 =	sadd.s32 s3, s2  }
0x8d: {  	s2 =	sadd.s32 s2, s16  }
0x8e: {  	[smem:$0x3FB9] =	sst s2  }
0x8f: {  	_ = 	snop  }
0x90: {  	(tm) =	ssettm $0x1  }
0x91: {  	s17 =	sld [smem:$0x3FFB];
	_ =	sdelay $0x3  }
0x92: {  	_ =	strace s17  }
0x93: {  	s2 =	sld [smem:$0x3FFC];
	_ =	sdelay $0x3  }
0x94: {  	_ =	strace s2  }
0x95: {  	s2 =	sld [smem:$0x3FFD];
	_ =	sdelay $0x3  }
0x96: {  	_ =	strace s2  }
0x97: {  	_ =	strace $0x8FFFFFFF  }
0x98: {  	s18 =	sld [smem:$0x3FDB];
	_ =	sdelay $0x1  }
0x99: {  	s19 =	simm.s32 $_scs_section_size  }
0x9a: {  	s4 =	simm.s32 $_size__tile_overlayer_lowered;
	s5 =	simm.s32 $_tile_overlayer_lowered  }
0x9b: {  	s22 =	simm.s32 $0x1BFF;
	s21 =	sshll.u32 s5, $0x1;
	s2 =	sadd.s32 s19, s18  }
0x9c: {  	s6 =	simm.s32 $0x0;
	s20 =	sshll.u32 s4, $0x1;
	s4 =	sadd.s32 s21, s2  }
0x9d: {  	[timem:s6], [sflag:s22] =	dma.local [hbm:s4], s20  }
0x9e: {  	_ =	swait.ge [sflag:s22], s20  }
0x9f: {  	s3 =	ssub.s32 $0x0, s20;
	[sflag:s22] =	ssyncset.done $0x0  }
0xa0: {  	[sflag:s22] =	ssyncadd.s32 s3;
	_ =	sdelay $0x1  }
0xa1: {  	s23 =	simm.s32 $0x1B8B  }
0xa2: {  	_ =	swait.ge [sflag:s23], $0x1  }
0xa3: {  	[sflag:s23] =	ssyncset.done $0x0  }
0xa4: {  	s25 =	simm.s32 $0x1B8E;
	s24 =	sld [smem:$0x3FFE];
	[sflag:s23] =	ssyncadd.s32 $0xFFFFFFFF  }
0xa5: {  	s26 =	simm.s32 $execute0_lowered;
	[smem:$0x3FD2] =	sst s25  }
0xa6: {  	s4 =	sshll.u32 s26, $0x1;
	_ =	strace $0x8000004C;
	[dreg:$0x1] =	wrdreg $0xFFFFFFFF  }
0xa7: {  	s28 =	simm.s32 $_size_execute0_lowered;
	s2 =	sadd.s32 s2, s4;
	[dreg:$0x0] =	wrdreg $0x0  }
0xa8: {  	s4 =	sshll.u32 s28, $0x1;
	[dreg:$0x2] =	wrdreg s2  }
0xa9: {  	[dreg:$0x3] =	wrdreg s4  }
0xaa: {  	[dreg:$0x4] =	wrdreg $0xC0  }
0xab: {  	_ =	task [dreg:s6], $0x5FFFF  }
0xac: {  	[dreg:$0x1] =	wrdreg $0xFFFFFFFF  }
0xad: {  	[dreg:$0x0] =	wrdreg $0x60  }
0xae: {  	[dreg:$0x2] =	wrdreg s24  }
0xaf: {  	[dreg:$0x3] =	wrdreg $0xB4000  }
0xb0: {  	[dreg:$0x4] =	wrdreg $0x9  }
0xb1: {  	_ =	task.clear_ibuf [dreg:s6], $0x5FFFF;
	_ =	strace $0x9000004C  }
0xb2: {  	s29 =	simm.s32 $0x9;
	_ =	strace $0x8000004E  }
0xb3: {  	_ =	swait.ge [sflag:s29], $0x1  }
0xb4: {  	[sflag:s29] =	ssyncadd.s32 $0xFFFFFFFF  }
0xb5: {  	_ =	strace $0x9000004E  }
0xb6: {  	_ =	sfence  }
0xb7: {  	s30 =	sld [smem:$0x0];
	_ =	sdelay $0x2  }
0xb8: {  	s31 =	sshll.u32 s1, $0xD;
	s1 =	sshrl.u32 s1, $0x2  }
0xb9: {  	s3 =	sand.u32 $0x4000, s31;
	s1 =	sadd.s32 s1, s30  }
0xba: {  	s0 =	sor.u32 s3, s0;
	s1 =	sshll.u32 s1, $0x11  }
0xbb: {  	s0 =	sor.u32 s1, s0  }
0xbc: {  	s0 =	sadd.s32 $0x8F2B, s0  }
0xbd: {  	[sflag:s0] =	ssyncadd.remote.s32 $0x1  }
0xbe: {  	_ =	sfence.sel $0xFFFF  }
0xbf: {  	[dreg:$0x0] =	wrdreg $0xFFFFFFFF;
	(pc) =	sbr.abs _section_cstart, $3  }
0xc0: {  	[dreg:$0x1] =	wrdreg $0xFFFFFFFF  }
0xc1: {  	_ =	task.clear_ibuf [dreg:s6], $0x2FFFF;
	_ =	strace $0x9FFFFFFF  }
0xc2: {  	(tm) =	ssettm $0x7FFFFFFF  }
0xc3: {  	_ =	shalt  }
tec
execute0_lowered:
.L_overlay_start_1:
0x0: {  	(tag) =	ssettag $0x1  }
0x1: {  	s1 =	srdreg.scid;
	s8 =	rddreg [dreg:$0x0]  }
0x2: {  	s0 =	stileid.u32;
	s2 =	rddreg [dreg:$0x1]  }
0x3: {  	s4 =	simm.s32 $0x0;
	s17 =	simm.s32 $0x2C00;
	s18 =	simm.s32 $0x3400  }
0x4: {  	s19 =	simm.s32 $0x80;
	s20 =	simm.s32 $0x4;
	s21 =	simm.s32 $0x0  }
0x5: {  	s7 =	sand.u32 $0x1, s1;
	s26 =	sshll.u32 s0, $0x1;
	[smem:$0x7FF] =	sst s4  }
0x6: {  	s10 =	smul.u32 $0x13C00, s0;
	s5 =	sadd.s32 $0x17C00, s8;
	s6 =	sadd.s32 $0x3C00, s8  }
0x7: {  	s13 =	smul.u32 $0x4F000, s0;
	s31 =	sshll.u32 s0, $0x6;
	s1 =	sor.u32 s7, s26  }
0x8: {  	s9 =	smul.u32 $0x140000, s7;
	s28 =	ssub.s32 $0x2, s7;
	s7 =	sadd.s32 $0x3FC00, s8  }
0x9: {  	s3 =	smul.u32 $0x2800, s1;
	s1 =	rddreg [dreg:$0x2];
	_ =	strace $0x8000004D  }
0xa: {  	s29 =	sshrl.u32 s28, $0x1;
	s30 =	sshrl.u32 s13, $0x2;
	s9 =	sadd.s32 s10, s9  }
0xb: {  	s15 =	ssub.s32 s28, s29;
	s16 =	sadd.s32 s30, s2;
	s11 =	sshrl.u32 s3, $0x3  }
0xc: {  	s9 =	sshrl.u32 s9, $0x3;
	s13 =	smax.u32 s15, $0x1;
	s15 =	simm.s32 $0x8  }
0xd: {  	s12 =	sadd.s32 s11, s8;
	s14 =	sadd.s32 s9, s8;
	s9 =	sadd.s32 s6, s11  }
0xe: {  	s8 =	sor.u32 $0x1C08, s31;
	s10 =	sadd.s32 $0xDC00, s12;
	s11 =	sadd.s32 $0x80, s9  }
0xf: {  	s12 =	sadd.s32 $0x42400, s14;
	s14 =	sshrl.u32 s16, $0x3;
	s16 =	simm.s32 $0x2800  }
.LBB2_1:
0x10: {  	[spmem:s14], [sflag:s8] =	dma.local [hbm:s7], $0x2780  }
0x11: {  	_ =	swait.ge [sflag:s15], $0x2780  }
0x12: {  	[sflag:s15] =	ssyncset.done $0x0  }
0x13: {  	[sflag:s15] =	ssyncadd.s32 $0xFFFFD880  }
0x14: {  	[tilespmem:s4], [sflag:$0x8] =	stream.linear.gather [hbm4b:s10+s4], $0x2800, $0x38;
	[tilespmem:$0x1F000] =	vst v63  }
0x15: {  	_ =	swait.ge [sflag:s15], $0x2800  }
0x16: {  	[sflag:s15] =	ssyncset.done $0x0  }
0x17: {  	[sflag:s15] =	ssyncadd.s32 $0xFFFFD800  }
0x18: {  	[tilespmem:s16], [sflag:$0x5] =	stream.linear.gather [hbm4b:s9+s4], $0x400, $0x38;
	[tilespmem:$0x1F000] =	vst v63  }
0x19: {  	_ = 	snop  }
0x1a: {  	[tilespmem:s17], [sflag:$0x6] =	stream.linear.gather [hbm4b:s11+s4], $0x400, $0x38;
	[tilespmem:$0x1F000] =	vst v63  }
0x1b: {  	s22 =	simm.s32 $0x80;
	s23 =	simm.s32 $0x0;
	[bflag:$0x0] =	sbarrier.arrive $0xFFFF  }
0x1c: {  	[tilespmem:s18], [sflag:$0x1] =	stream.indirect.gather [hbm4b:s5+s19], $0x80, s4, s19, $0xb8;
	[tilespmem:$0x1F000] =	vst v63  }
.LBB2_2:
0x1d: {  	s24 =	sshrl.u32 s23, $0x3  }
0x1e: {  	s25 =	smul.u32 $0xAB, s24;
	_ =	sdelay $0x1  }
0x1f: {  	s25 =	sshrl.u32 s25, $0x9  }
0x20: {  	s25 =	sand.u32 $0x7F, s25  }
0x21: {  	s25 =	smul.u32 $0x3, s25;
	_ =	sdelay $0x1  }
0x22: {  	s26 =	sand.u32 $0x7, s23;
	s25 =	ssub.s32 s24, s25  }
0x23: {  	p0 =	sne.s32 s26, $0x0;
	s25 =	sand.u32 $0xFF, s25  }
0x24: {  	s28 =	sadd.s32 @!p0 $0x5, s25  }
0x25: {  	s29 =	sand.u32 $0x1, s23;
	_ =	swait.ge @!p0 [sflag:s28], $0x400  }
0x26: {  	s30 =	sadd.s32 $0x1, s29;
	[sflag:s28] =	ssyncset.done @!p0 $0x0  }
0x27: {  	s26 =	sshll.u32 s26, $0x7;
	s25 =	sshll.u32 s25, $0xA;
	[sflag:s28] =	ssyncadd.s32 @!p0 $0xFFFFFC00  }
0x28: {  	s31 =	sshll.u32 s29, $0xE;
	s25 =	sor.u32 s26, s25;
	_ =	swait.ge [sflag:s30], $0x4000  }
0x29: {  	s25 =	sadd.s32 $0x2800, s25;
	s28 =	sor.u32 $0x3400, s31;
	[sflag:s30] =	ssyncset.done $0x0  }
0x2a: {  	s31 =	sadd.s32 $0x3, s29;
	p0 =	seq.s32 s23, $0x0;
	[sflag:s30] =	ssyncadd.s32 $0xFFFFC000  }
0x2b: {  	[spmem:s2] =	stream.indirect.scatter.add.f32 [tilespmem:s28], [sflag:s31], $0x80, s25, s19, $0xb8;
	[tilespmem:$0x1F000] =	vst v63  }
0x2c: {  	s26 =	sand.u32 @!p0 $0x47, s23;
	s25 =	sxor.u32 @!p0 $0x1, s29  }
0x2d: {  	p1 =	sne.s32 @!p0 s26, $0x0;
	s25 =	sadd.s32 @!p0 $0x3, s25  }
0x2e: {  	p1 =	por p0, !p1;
	_ =	swait.ge @!p0 [sflag:s25], $0x4000  }
0x2f: {  	s24 =	sadd.s32 @p1 $0x2, s24;
	[sflag:s25] =	ssyncset.done @!p0 $0x0  }
0x30: {  	[sflag:s25] =	ssyncadd.s32 @!p0 $0xFFFFC000;
	s25 =	smul.u32 @p1 $0xAB, s24;
	_ =	sdelay $0x1  }
0x31: {  	s25 =	sshrl.u32 @p1 s25, $0x9  }
0x32: {  	s25 =	sand.u32 @p1 $0x7F, s25  }
0x33: {  	s25 =	smul.u32 @p1 $0x3, s25;
	_ =	sdelay $0x1  }
0x34: {  	s26 =	sshll.u32 @p1 s24, $0xA;
	s24 =	ssub.s32 @p1 s24, s25  }
0x35: {  	p0 =	seq.s32 s23, $0x4F;
	s25 =	sadd.s32 @p1 s3, s26;
	s24 =	sand.u32 @p1 $0xFF, s24  }
0x36: {  	s23 =	sadd.s32 @!p0 $0x1, s23;
	s25 =	sshrl.u32 @p1 s25, $0x3;
	s26 =	sshll.u32 @p1 s24, $0xA  }
0x37: {  	s24 =	sadd.s32 @p1 $0x5, s24;
	s25 =	sadd.s32 @p1 s6, s25;
	s26 =	sadd.s32 @p1 $0x2800, s26  }
0x38: {  	[tilespmem:s26], [sflag:s24] =	stream.linear.gather @p1 [hbm4b:s25+s4], $0x400, $0x38;
	[tilespmem:$0x1F000] =	vst v63  }
0x39: {  	p1 =	sne.s32 @!p0 s23, $0x50  }
0x3a: {  	p1 =	por p0, !p1  }
.Ltmp0:
0x3b: {  	s24 =	sand.u32 @!p0 $0x1, s23;
	(pc) =	sbr.rel @!p1 .LBB2_2-.Ltmp0, $4  }
0x3c: {  	s25 =	sshll.u32 @!p0 s24, $0xE  }
0x3d: {  	s26 =	simm.s32 @!p0 $0x80;
	s24 =	sadd.s32 @!p0 $0x1, s24;
	s25 =	sor.u32 @!p0 $0x3400, s25  }
0x3e: {  	[tilespmem:s25], [sflag:s24] =	stream.indirect.gather @!p0 [hbm4b:s5+s26], $0x80, s22, s26, $0xb8;
	[tilespmem:$0x1F000] =	vst v63  }
0x3f: {  	s22 =	sadd.s32 @!p0 $0x80, s22  }
0x40: {  	_ =	swait.ge [sflag:s20], $0x4000  }
0x41: {  	s21 =	sadd.s32 $0x1, s21;
	[sflag:s20] =	ssyncset.done $0x0  }
0x42: {  	p0 =	sne.s32 s21, s13;
	[sflag:s20] =	ssyncadd.s32 $0xFFFFC000  }
.Ltmp1:
0x43: {  	[bflag:$0x0] =	sbarrier.arrive $0xFFFF;
	(pc) =	sbr.rel @p0 .LBB2_1-.Ltmp1, $4  }
0x44: {  	[hbm:s12], [sflag:s8] =	dma.local [spmem:s14], $0x2780  }
0x45: {  	_ =	swait.ge [sflag:s15], $0x2780  }
0x46: {  	[sflag:s15] =	ssyncset.done $0x0  }
0x47: {  	[sflag:s15] =	ssyncadd.s32 $0xFFFFD880  }
0x48: {  	_ =	sfence.sel $0x180000  }
0x49: {  	[bflag:$0x0] =	sbarrier.arrive $0xFFFF  }
0x4a: {  	p0 =	sne.s32 s0, $0x0;
	_ =	strace $0x9000004D  }
0x4b: {  	s0 =	sadd.s32 @!p0 $0x100000, s1;
	[bflag:$0x2] =	sbarrier.arrive $0xFFFF  }
0x4c: {  	[sflag:s0] =	ssyncadd.tile.s32 @!p0 $0x1;
	_ =	shalt  }
.Lfunc_end2:
_tile_overlayer_lowered:
.L_overlay_start_2:
0x4d: {  	(tag) =	ssettag $0x2  }
0x4e: {  	s0 =	rddreg [dreg:$0x0];
	s2 =	stileid.u32  }
0x4f: {  	s1 =	rddreg [dreg:$0x1];
	p0 =	sne.s32 s2, $0x0  }
0x50: {  	s3 =	rddreg [dreg:$0x2];
	[bflag:$0x3] =	sbarrier.arrive $0xFFFF;
	s2 =	simm.s32 @!p0 $0x1C08  }
0x51: {  	[timem:s3], [sflag:s2] =	dma.local @!p0 [hbm:s0], s1  }
0x52: {  	s0 =	simm.s32 @!p0 $0x8  }
0x53: {  	_ =	swait.ge @!p0 [sflag:s0], s1  }
0x54: {  	s1 =	ssub.s32 @!p0 $0x0, s1;
	[sflag:s0] =	ssyncset.done @!p0 $0x0  }
0x55: {  	[sflag:s0] =	ssyncadd.s32 @!p0 s1  }
0x56: {  	[bflag:$0x3] =	sbarrier.arrive $0xFFFF  }
0x57: {  	_ =	shalt  }

// kernel: kernel.8.cloned.1.call-start
scs
__scs_entry_jumppad:
0x0: {  	(pc) =	sbr.rel $0x88, $3  }
0x1: {  	(tag) =	ssettag $0x0;
	lr =	simm.s32 $0x1  }
0x2: {  	[smem:$0x3F92] =	sst lr;
	_ =	strace $0xD0000000  }
0x3: {  	_ = 	snop  }
0x4: {  	_ = 	snop  }
0x5: {  	_ = 	snop  }
0x6: {  	_ = 	snop  }
0x7: {  	_ = 	snop  }
__scs_overlays_trampoline_lowered:
0x8: {  	[smem:$0x3FA1] =	sst s0  }
0x9: {  	[smem:$0x3FA2] =	sst s1  }
0xa: {  	[smem:$0x3FA3] =	sst s2  }
0xb: {  	[smem:$0x3FA4] =	sst s3  }
0xc: {  	[smem:$0x3FA5] =	sst s4  }
0xd: {  	[smem:$0x3FA6] =	sst s5  }
0xe: {  	[smem:$0x3FA7] =	sst s6  }
0xf: {  	[smem:$0x3FA8] =	sst s7  }
0x10: {  	[smem:$0x3FA9] =	sst s8  }
0x11: {  	[smem:$0x3FAA] =	sst s9;
	s0 =	simm.s32 @!p0 $0x0  }
0x12: {  	s1 =	sld [smem:$0x3F90];
	s0 =	simm.s32 @p0 $0x1  }
0x13: {  	[smem:$0x3FAB] =	sst s0;
	s0 =	simm.s32 @!p1 $0x0  }
0x14: {  	s2 =	sld [smem:$0x3F8F];
	s0 =	simm.s32 @p1 $0x1  }
0x15: {  	[smem:$0x3FAC] =	sst s0;
	s0 =	simm.s32 @!p2 $0x0  }
0x16: {  	s3 =	sld [smem:$0x3FDB];
	s0 =	simm.s32 @p2 $0x1  }
0x17: {  	s4 =	simm.s32 $0x1BF5;
	[smem:$0x3FAE] =	sst s0  }
0x18: {  	s0 =	sld [smem:$0x3F91];
	_ =	swait.ge [sflag:s4], $0x0  }
0x19: {  	s7 =	sld [smem:$0x3F92]  }
0x1a: {  	s8 =	sadd.s32 $0xFFFFE003, lr  }
0x1b: {  	s9 =	sadd.s32 $0xFFFFFEF7, lr;
	s5 =	simm.s32 $0xFFFFFFFF;
	p2 =	slt.u32 s8, $0xFFFFF086  }
0x1c: {  	p1 =	slt.u32 s9, $0xF7A;
	s5 =	simm.s32 @!p2 $0x0  }
0x1d: {  	s5 =	simm.s32 @p1 $0x1;
	p0 =	seq.s32 s7, s2  }
0x1e: {  	s7 =	smul.u32 @!p0 $0xF7A, s2;
	p2 =	seq.s32 @!p0 s5, $0x0  }
0x1f: {  	s9 =	smul.u32 $0xF7A, s1;
	s8 =	simm.s32 @!p0 $0x1BF5;
	p2 =	por !p2, p0  }
0x20: {  	[sflag:s8] =	ssyncset.s32 @!p0 $0xFFFFF086;
	s6 =	sadd.s32 @!p0 s3, s7;
	s7 =	simm.s32 @!p0 $0x108  }
0x21: {  	s3 =	sadd.s32 s3, s9;
	s6 =	sadd.s32 @!p0 $0x88, s6;
	s7 =	simm.s32 @p2 $0x1082  }
0x22: {  	[simem:s7], [sflag:s8] =	dma.local @!p0 [hbm:s6], $0xF7A  }
0x23: {  	s9 =	sor.u32 $0xD0000000, s2;
	s6 =	simm.s32 $0x108;
	_ =	swait.ge @!p0 [sflag:s8], $0x0  }
0x24: {  	s3 =	sadd.s32 $0x88, s3;
	s6 =	simm.s32 @!p1 $0x1082;
	[sflag:s4] =	ssyncset.s32 $0xFFFFF086  }
0x25: {  	[simem:s6], [sflag:s4] =	dma.local [hbm:s3], $0xF7A  }
0x26: {  	[smem:$0x3F92] =	sst s1;
	(tag) =	ssettag s2;
	_ =	strace s9  }
0x27: {  	s1 =	sld [smem:$0x3FA2]  }
0x28: {  	s2 =	sld [smem:$0x3FA3]  }
0x29: {  	s4 =	sld [smem:$0x3FA5]  }
0x2a: {  	p0 =	seq.s32 s5, $0x0;
	s5 =	sld [smem:$0x3FA6]  }
0x2b: {  	s6 =	sld [smem:$0x3FA7]  }
0x2c: {  	s7 =	sld [smem:$0x3FA8]  }
0x2d: {  	s3 =	simm.s32 $0x108;
	s8 =	sld [smem:$0x3FA9]  }
0x2e: {  	s3 =	simm.s32 @!p0 $0x1082;
	s9 =	sld [smem:$0x3FAA]  }
0x2f: {  	lr =	sadd.s32 s0, s3;
	s0 =	sld [smem:$0x3FA1]  }
0x30: {  	s3 =	sld [smem:$0x3FA4]  }
0x31: {  	[smem:$0x3FAD] =	sst s10  }
0x32: {  	s10 =	sld [smem:$0x3FAB];
	_ =	sdelay $0x3  }
0x33: {  	p0 =	seq.s32 s10, $0x1;
	s10 =	sld [smem:$0x3FAD];
	_ =	sdelay $0x3  }
0x34: {  	[smem:$0x3FAD] =	sst s10  }
0x35: {  	s10 =	sld [smem:$0x3FAC];
	_ =	sdelay $0x3  }
0x36: {  	p1 =	seq.s32 s10, $0x1;
	s10 =	sld [smem:$0x3FAD];
	_ =	sdelay $0x3  }
0x37: {  	[smem:$0x3FAD] =	sst s10  }
0x38: {  	s10 =	sld [smem:$0x3FAE]  }
0x39: {  	_ = 	snop;
	(pc) =	sbr.ind lr, $3  }
0x3a: {  	_ = 	snop  }
0x3b: {  	_ = 	snop  }
0x3c: {  	p2 =	seq.s32 s10, $0x1;
	s10 =	sld [smem:$0x3FAD]  }
0x3d: {  	_ =	shalt  }
0x3e: {  	_ =	shalt  }
0x3f: {  	_ =	shalt  }
0x40: {  	_ =	shalt  }
0x41: {  	_ =	shalt  }
0x42: {  	_ =	shalt  }
0x43: {  	_ =	shalt  }
0x44: {  	_ =	shalt  }
0x45: {  	_ =	shalt  }
0x46: {  	_ =	shalt  }
0x47: {  	_ =	shalt  }
0x48: {  	_ =	shalt  }
0x49: {  	_ =	shalt  }
0x4a: {  	_ =	shalt  }
0x4b: {  	_ =	shalt  }
0x4c: {  	_ =	shalt  }
0x4d: {  	_ =	shalt  }
0x4e: {  	_ =	shalt  }
0x4f: {  	_ =	shalt  }
0x50: {  	_ =	shalt  }
0x51: {  	_ =	shalt  }
0x52: {  	_ =	shalt  }
0x53: {  	_ =	shalt  }
0x54: {  	_ =	shalt  }
0x55: {  	_ =	shalt  }
0x56: {  	_ =	shalt  }
0x57: {  	_ =	shalt  }
0x58: {  	_ =	shalt  }
0x59: {  	_ =	shalt  }
0x5a: {  	_ =	shalt  }
0x5b: {  	_ =	shalt  }
0x5c: {  	_ =	shalt  }
0x5d: {  	_ =	shalt  }
0x5e: {  	_ =	shalt  }
0x5f: {  	_ =	shalt  }
0x60: {  	_ =	shalt  }
0x61: {  	_ =	shalt  }
0x62: {  	_ =	shalt  }
0x63: {  	_ =	shalt  }
0x64: {  	_ =	shalt  }
0x65: {  	_ =	shalt  }
0x66: {  	_ =	shalt  }
0x67: {  	_ =	shalt  }
0x68: {  	_ =	shalt  }
0x69: {  	_ =	shalt  }
0x6a: {  	_ =	shalt  }
0x6b: {  	_ =	shalt  }
0x6c: {  	_ =	shalt  }
0x6d: {  	_ =	shalt  }
0x6e: {  	_ =	shalt  }
0x6f: {  	_ =	shalt  }
0x70: {  	_ =	shalt  }
0x71: {  	_ =	shalt  }
0x72: {  	_ =	shalt  }
0x73: {  	_ =	shalt  }
0x74: {  	_ =	shalt  }
0x75: {  	_ =	shalt  }
0x76: {  	_ =	shalt  }
0x77: {  	_ =	shalt  }
0x78: {  	_ =	shalt  }
0x79: {  	_ =	shalt  }
0x7a: {  	_ =	shalt  }
0x7b: {  	_ =	shalt  }
0x7c: {  	_ =	shalt  }
0x7d: {  	_ =	shalt  }
0x7e: {  	_ =	shalt  }
0x7f: {  	_ =	shalt  }
0x80: {  	_ =	shalt  }
0x81: {  	_ =	shalt  }
0x82: {  	_ =	shalt  }
0x83: {  	_ =	shalt  }
0x84: {  	_ =	shalt  }
0x85: {  	_ =	shalt  }
0x86: {  	_ =	shalt  }
0x87: {  	_ =	shalt  }
.Lfunc_end0:
.L_simem_size_0:
called_computation_lowered:
.L_overlay_start_0:
0x88: {  	s2 =	sld [smem:$0x3FD9]  }
0x89: {  	s3 =	sld [smem:$0x3FFE];
	_ =	sdelay $0x1  }
0x8a: {  	s1 =	srdreg.scid  }
0x8b: {  	s0 =	sand.u32 $0x1, s1  }
0x8c: {  	s16 =	sshll.u32 s0, $0xA;
	s2 =	sadd.s32 s3, s2  }
0x8d: {  	s2 =	sadd.s32 s2, s16  }
0x8e: {  	[smem:$0x3FB9] =	sst s2  }
0x8f: {  	_ = 	snop  }
0x90: {  	(tm) =	ssettm $0x1  }
0x91: {  	s17 =	sld [smem:$0x3FFB];
	_ =	sdelay $0x3  }
0x92: {  	_ =	strace s17  }
0x93: {  	s2 =	sld [smem:$0x3FFC];
	_ =	sdelay $0x3  }
0x94: {  	_ =	strace s2  }
0x95: {  	s2 =	sld [smem:$0x3FFD];
	_ =	sdelay $0x3  }
0x96: {  	_ =	strace s2  }
0x97: {  	_ =	strace $0x8FFFFFFF  }
0x98: {  	s18 =	sld [smem:$0x3FDB];
	_ =	sdelay $0x1  }
0x99: {  	s19 =	simm.s32 $_scs_section_size  }
0x9a: {  	s4 =	simm.s32 $_size__tile_overlayer_lowered;
	s5 =	simm.s32 $_tile_overlayer_lowered  }
0x9b: {  	s22 =	simm.s32 $0x1BFF;
	s21 =	sshll.u32 s5, $0x1;
	s2 =	sadd.s32 s19, s18  }
0x9c: {  	s6 =	simm.s32 $0x0;
	s20 =	sshll.u32 s4, $0x1;
	s4 =	sadd.s32 s21, s2  }
0x9d: {  	[timem:s6], [sflag:s22] =	dma.local [hbm:s4], s20  }
0x9e: {  	_ =	swait.ge [sflag:s22], s20  }
0x9f: {  	s3 =	ssub.s32 $0x0, s20;
	[sflag:s22] =	ssyncset.done $0x0  }
0xa0: {  	[sflag:s22] =	ssyncadd.s32 s3;
	_ =	sdelay $0x1  }
0xa1: {  	s23 =	simm.s32 $0x1B8B  }
0xa2: {  	_ =	swait.ge [sflag:s23], $0x1  }
0xa3: {  	[sflag:s23] =	ssyncset.done $0x0  }
0xa4: {  	s25 =	simm.s32 $0x1B8E;
	s24 =	sld [smem:$0x3FFE];
	[sflag:s23] =	ssyncadd.s32 $0xFFFFFFFF  }
0xa5: {  	s26 =	simm.s32 $execute0_lowered;
	[smem:$0x3FD2] =	sst s25  }
0xa6: {  	s4 =	sshll.u32 s26, $0x1;
	_ =	strace $0x80000046;
	[dreg:$0x1] =	wrdreg $0xFFFFFFFF  }
0xa7: {  	s28 =	simm.s32 $_size_execute0_lowered;
	s2 =	sadd.s32 s2, s4;
	[dreg:$0x0] =	wrdreg $0x0  }
0xa8: {  	s4 =	sshll.u32 s28, $0x1;
	[dreg:$0x2] =	wrdreg s2  }
0xa9: {  	[dreg:$0x3] =	wrdreg s4  }
0xaa: {  	[dreg:$0x4] =	wrdreg $0xC0  }
0xab: {  	_ =	task [dreg:s6], $0x5FFFF  }
0xac: {  	[dreg:$0x1] =	wrdreg $0xFFFFFFFF  }
0xad: {  	[dreg:$0x0] =	wrdreg $0x60  }
0xae: {  	[dreg:$0x2] =	wrdreg s24  }
0xaf: {  	[dreg:$0x3] =	wrdreg $0xB4000  }
0xb0: {  	[dreg:$0x4] =	wrdreg $0x9  }
0xb1: {  	_ =	task.clear_ibuf [dreg:s6], $0x5FFFF;
	_ =	strace $0x90000046  }
0xb2: {  	s29 =	simm.s32 $0x9;
	_ =	strace $0x80000048  }
0xb3: {  	_ =	swait.ge [sflag:s29], $0x1  }
0xb4: {  	[sflag:s29] =	ssyncadd.s32 $0xFFFFFFFF  }
0xb5: {  	_ =	strace $0x90000048  }
0xb6: {  	_ =	sfence  }
0xb7: {  	s30 =	sld [smem:$0x0];
	_ =	sdelay $0x2  }
0xb8: {  	s31 =	sshll.u32 s1, $0xD;
	s1 =	sshrl.u32 s1, $0x2  }
0xb9: {  	s3 =	sand.u32 $0x4000, s31;
	s1 =	sadd.s32 s1, s30  }
0xba: {  	s0 =	sor.u32 s3, s0;
	s1 =	sshll.u32 s1, $0x11  }
0xbb: {  	s0 =	sor.u32 s1, s0  }
0xbc: {  	s0 =	sadd.s32 $0x8F2B, s0  }
0xbd: {  	[sflag:s0] =	ssyncadd.remote.s32 $0x1  }
0xbe: {  	_ =	sfence.sel $0xFFFF  }
0xbf: {  	[dreg:$0x0] =	wrdreg $0xFFFFFFFF;
	(pc) =	sbr.abs _section_cstart, $3  }
0xc0: {  	[dreg:$0x1] =	wrdreg $0xFFFFFFFF  }
0xc1: {  	_ =	task.clear_ibuf [dreg:s6], $0x2FFFF;
	_ =	strace $0x9FFFFFFF  }
0xc2: {  	(tm) =	ssettm $0x7FFFFFFF  }
0xc3: {  	_ =	shalt  }
tec
execute0_lowered:
.L_overlay_start_1:
0x0: {  	(tag) =	ssettag $0x1  }
0x1: {  	s1 =	srdreg.scid;
	s8 =	rddreg [dreg:$0x0]  }
0x2: {  	s0 =	stileid.u32;
	s2 =	rddreg [dreg:$0x1]  }
0x3: {  	s4 =	simm.s32 $0x0;
	s17 =	simm.s32 $0x2C00;
	s18 =	simm.s32 $0x3400  }
0x4: {  	s19 =	simm.s32 $0x80;
	s20 =	simm.s32 $0x4;
	s21 =	simm.s32 $0x0  }
0x5: {  	s7 =	sand.u32 $0x1, s1;
	s26 =	sshll.u32 s0, $0x1;
	[smem:$0x7FF] =	sst s4  }
0x6: {  	s10 =	smul.u32 $0x13C00, s0;
	s5 =	sadd.s32 $0x17C00, s8;
	s6 =	sadd.s32 $0x3C00, s8  }
0x7: {  	s13 =	smul.u32 $0x4F000, s0;
	s31 =	sshll.u32 s0, $0x6;
	s1 =	sor.u32 s7, s26  }
0x8: {  	s9 =	smul.u32 $0x140000, s7;
	s28 =	ssub.s32 $0x2, s7;
	s7 =	sadd.s32 $0x3FC00, s8  }
0x9: {  	s3 =	smul.u32 $0x2800, s1;
	s1 =	rddreg [dreg:$0x2];
	_ =	strace $0x80000047  }
0xa: {  	s29 =	sshrl.u32 s28, $0x1;
	s30 =	sshrl.u32 s13, $0x2;
	s9 =	sadd.s32 s10, s9  }
0xb: {  	s15 =	ssub.s32 s28, s29;
	s16 =	sadd.s32 s30, s2;
	s11 =	sshrl.u32 s3, $0x3  }
0xc: {  	s9 =	sshrl.u32 s9, $0x3;
	s13 =	smax.u32 s15, $0x1;
	s15 =	simm.s32 $0x8  }
0xd: {  	s12 =	sadd.s32 s11, s8;
	s14 =	sadd.s32 s9, s8;
	s9 =	sadd.s32 s6, s11  }
0xe: {  	s8 =	sor.u32 $0x1C08, s31;
	s10 =	sadd.s32 $0xDC00, s12;
	s11 =	sadd.s32 $0x80, s9  }
0xf: {  	s12 =	sadd.s32 $0x42400, s14;
	s14 =	sshrl.u32 s16, $0x3;
	s16 =	simm.s32 $0x2800  }
.LBB2_1:
0x10: {  	[spmem:s14], [sflag:s8] =	dma.local [hbm:s7], $0x2780  }
0x11: {  	_ =	swait.ge [sflag:s15], $0x2780  }
0x12: {  	[sflag:s15] =	ssyncset.done $0x0  }
0x13: {  	[sflag:s15] =	ssyncadd.s32 $0xFFFFD880  }
0x14: {  	[tilespmem:s4], [sflag:$0x8] =	stream.linear.gather [hbm4b:s10+s4], $0x2800, $0x38;
	[tilespmem:$0x1F000] =	vst v63  }
0x15: {  	_ =	swait.ge [sflag:s15], $0x2800  }
0x16: {  	[sflag:s15] =	ssyncset.done $0x0  }
0x17: {  	[sflag:s15] =	ssyncadd.s32 $0xFFFFD800  }
0x18: {  	[tilespmem:s16], [sflag:$0x5] =	stream.linear.gather [hbm4b:s9+s4], $0x400, $0x38;
	[tilespmem:$0x1F000] =	vst v63  }
0x19: {  	_ = 	snop  }
0x1a: {  	[tilespmem:s17], [sflag:$0x6] =	stream.linear.gather [hbm4b:s11+s4], $0x400, $0x38;
	[tilespmem:$0x1F000] =	vst v63  }
0x1b: {  	s22 =	simm.s32 $0x80;
	s23 =	simm.s32 $0x0;
	[bflag:$0x0] =	sbarrier.arrive $0xFFFF  }
0x1c: {  	[tilespmem:s18], [sflag:$0x1] =	stream.indirect.gather [hbm4b:s5+s19], $0x80, s4, s19, $0xb8;
	[tilespmem:$0x1F000] =	vst v63  }
.LBB2_2:
0x1d: {  	s24 =	sshrl.u32 s23, $0x3  }
0x1e: {  	s25 =	smul.u32 $0xAB, s24;
	_ =	sdelay $0x1  }
0x1f: {  	s25 =	sshrl.u32 s25, $0x9  }
0x20: {  	s25 =	sand.u32 $0x7F, s25  }
0x21: {  	s25 =	smul.u32 $0x3, s25;
	_ =	sdelay $0x1  }
0x22: {  	s26 =	sand.u32 $0x7, s23;
	s25 =	ssub.s32 s24, s25  }
0x23: {  	p0 =	sne.s32 s26, $0x0;
	s25 =	sand.u32 $0xFF, s25  }
0x24: {  	s28 =	sadd.s32 @!p0 $0x5, s25  }
0x25: {  	s29 =	sand.u32 $0x1, s23;
	_ =	swait.ge @!p0 [sflag:s28], $0x400  }
0x26: {  	s30 =	sadd.s32 $0x1, s29;
	[sflag:s28] =	ssyncset.done @!p0 $0x0  }
0x27: {  	s26 =	sshll.u32 s26, $0x7;
	s25 =	sshll.u32 s25, $0xA;
	[sflag:s28] =	ssyncadd.s32 @!p0 $0xFFFFFC00  }
0x28: {  	s31 =	sshll.u32 s29, $0xE;
	s25 =	sor.u32 s26, s25;
	_ =	swait.ge [sflag:s30], $0x4000  }
0x29: {  	s25 =	sadd.s32 $0x2800, s25;
	s28 =	sor.u32 $0x3400, s31;
	[sflag:s30] =	ssyncset.done $0x0  }
0x2a: {  	s31 =	sadd.s32 $0x3, s29;
	p0 =	seq.s32 s23, $0x0;
	[sflag:s30] =	ssyncadd.s32 $0xFFFFC000  }
0x2b: {  	[spmem:s2] =	stream.indirect.scatter.add.f32 [tilespmem:s28], [sflag:s31], $0x80, s25, s19, $0xb8;
	[tilespmem:$0x1F000] =	vst v63  }
0x2c: {  	s26 =	sand.u32 @!p0 $0x47, s23;
	s25 =	sxor.u32 @!p0 $0x1, s29  }
0x2d: {  	p1 =	sne.s32 @!p0 s26, $0x0;
	s25 =	sadd.s32 @!p0 $0x3, s25  }
0x2e: {  	p1 =	por p0, !p1;
	_ =	swait.ge @!p0 [sflag:s25], $0x4000  }
0x2f: {  	s24 =	sadd.s32 @p1 $0x2, s24;
	[sflag:s25] =	ssyncset.done @!p0 $0x0  }
0x30: {  	[sflag:s25] =	ssyncadd.s32 @!p0 $0xFFFFC000;
	s25 =	smul.u32 @p1 $0xAB, s24;
	_ =	sdelay $0x1  }
0x31: {  	s25 =	sshrl.u32 @p1 s25, $0x9  }
0x32: {  	s25 =	sand.u32 @p1 $0x7F, s25  }
0x33: {  	s25 =	smul.u32 @p1 $0x3, s25;
	_ =	sdelay $0x1  }
0x34: {  	s26 =	sshll.u32 @p1 s24, $0xA;
	s24 =	ssub.s32 @p1 s24, s25  }
0x35: {  	p0 =	seq.s32 s23, $0x4F;
	s25 =	sadd.s32 @p1 s3, s26;
	s24 =	sand.u32 @p1 $0xFF, s24  }
0x36: {  	s23 =	sadd.s32 @!p0 $0x1, s23;
	s25 =	sshrl.u32 @p1 s25, $0x3;
	s26 =	sshll.u32 @p1 s24, $0xA  }
0x37: {  	s24 =	sadd.s32 @p1 $0x5, s24;
	s25 =	sadd.s32 @p1 s6, s25;
	s26 =	sadd.s32 @p1 $0x2800, s26  }
0x38: {  	[tilespmem:s26], [sflag:s24] =	stream.linear.gather @p1 [hbm4b:s25+s4], $0x400, $0x38;
	[tilespmem:$0x1F000] =	vst v63  }
0x39: {  	p1 =	sne.s32 @!p0 s23, $0x50  }
0x3a: {  	p1 =	por p0, !p1  }
.Ltmp0:
0x3b: {  	s24 =	sand.u32 @!p0 $0x1, s23;
	(pc) =	sbr.rel @!p1 .LBB2_2-.Ltmp0, $4  }
0x3c: {  	s25 =	sshll.u32 @!p0 s24, $0xE  }
0x3d: {  	s26 =	simm.s32 @!p0 $0x80;
	s24 =	sadd.s32 @!p0 $0x1, s24;
	s25 =	sor.u32 @!p0 $0x3400, s25  }
0x3e: {  	[tilespmem:s25], [sflag:s24] =	stream.indirect.gather @!p0 [hbm4b:s5+s26], $0x80, s22, s26, $0xb8;
	[tilespmem:$0x1F000] =	vst v63  }
0x3f: {  	s22 =	sadd.s32 @!p0 $0x80, s22  }
0x40: {  	_ =	swait.ge [sflag:s20], $0x4000  }
0x41: {  	s21 =	sadd.s32 $0x1, s21;
	[sflag:s20] =	ssyncset.done $0x0  }
0x42: {  	p0 =	sne.s32 s21, s13;
	[sflag:s20] =	ssyncadd.s32 $0xFFFFC000  }
.Ltmp1:
0x43: {  	[bflag:$0x0] =	sbarrier.arrive $0xFFFF;
	(pc) =	sbr.rel @p0 .LBB2_1-.Ltmp1, $4  }
0x44: {  	[hbm:s12], [sflag:s8] =	dma.local [spmem:s14], $0x2780  }
0x45: {  	_ =	swait.ge [sflag:s15], $0x2780  }
0x46: {  	[sflag:s15] =	ssyncset.done $0x0  }
0x47: {  	[sflag:s15] =	ssyncadd.s32 $0xFFFFD880  }
0x48: {  	_ =	sfence.sel $0x180000  }
0x49: {  	[bflag:$0x0] =	sbarrier.arrive $0xFFFF  }
0x4a: {  	p0 =	sne.s32 s0, $0x0;
	_ =	strace $0x90000047  }
0x4b: {  	s0 =	sadd.s32 @!p0 $0x100000, s1;
	[bflag:$0x2] =	sbarrier.arrive $0xFFFF  }
0x4c: {  	[sflag:s0] =	ssyncadd.tile.s32 @!p0 $0x1;
	_ =	shalt  }
.Lfunc_end2:
_tile_overlayer_lowered:
.L_overlay_start_2:
0x4d: {  	(tag) =	ssettag $0x2  }
0x4e: {  	s0 =	rddreg [dreg:$0x0];
	s2 =	stileid.u32  }
0x4f: {  	s1 =	rddreg [dreg:$0x1];
	p0 =	sne.s32 s2, $0x0  }
0x50: {  	s3 =	rddreg [dreg:$0x2];
	[bflag:$0x3] =	sbarrier.arrive $0xFFFF;
	s2 =	simm.s32 @!p0 $0x1C08  }
0x51: {  	[timem:s3], [sflag:s2] =	dma.local @!p0 [hbm:s0], s1  }
0x52: {  	s0 =	simm.s32 @!p0 $0x8  }
0x53: {  	_ =	swait.ge @!p0 [sflag:s0], s1  }
0x54: {  	s1 =	ssub.s32 @!p0 $0x0, s1;
	[sflag:s0] =	ssyncset.done @!p0 $0x0  }
0x55: {  	[sflag:s0] =	ssyncadd.s32 @!p0 s1  }
0x56: {  	[bflag:$0x3] =	sbarrier.arrive $0xFFFF  }
0x57: {  	_ =	shalt  }

</sc_bundles>
